<compile_context>
chip_gen: v7x
topology: tpu7x:2x2x1
jax: 0.10.2.dev20260603
libtpu: 0.0.44.dev20260713+nightly
codegen_flags: <defaults>
</compile_context>

<pallas_src>
import jax
import jax.numpy as jnp
from jax import lax
from jax.experimental import pallas as pl
from jax.experimental.pallas import tpu as pltpu
from jax.experimental.pallas import tpu_sc as plsc

N = 10000
E = 320000
D = 128
NPAD = 10240

NC = 2
NS = 16
NW = NC * NS
EPT = 9984
REM = E - NW * EPT
XW = REM // 128
BPT = NPAD // NS


def _sc_hist_body(ei_hbm, ones_hbm, out_hbm, iv2, ivx, iv_s, iv_d, ivx_s,
                  ivx_d, ones_v, zero_v, obuf_v, sem, sem2, hist_src,
                  hist_dst):
    c = lax.axis_index("c")
    s = lax.axis_index("s")
    w = c * NS + s

    load_m = pltpu.async_copy(ei_hbm.at[:, pl.ds(w * EPT, EPT)], iv2, sem)
    load_x = pltpu.async_copy(
        ei_hbm.at[:, pl.ds(NW * EPT + lax.min(w, XW - 1) * 128, 128)],
        ivx, sem)
    load_o = pltpu.async_copy(ones_hbm, ones_v, sem)

    @pl.loop(0, BPT // 16)
    def _(i):
        zero_v[pl.ds(i * 16, 16)] = jnp.zeros((16,), jnp.float32)

    pltpu.sync_copy(zero_v, hist_src.at[pl.ds(s * BPT, BPT)])
    pltpu.sync_copy(zero_v, hist_dst.at[pl.ds(s * BPT, BPT)])

    load_m.wait()

    @pl.loop(0, EPT // 16, unroll=8)
    def _(i):
        sl = pl.ds(i * 16, 16)
        iv_s[sl] = iv2[0, sl]

    plsc.subcore_barrier()

    load_o.wait()
    sc_s = pltpu.async_copy(ones_v, hist_src.at[iv_s], sem2, add=True)

    @pl.loop(0, EPT // 16, unroll=8)
    def _(i):
        sl = pl.ds(i * 16, 16)
        iv_d[sl] = iv2[1, sl]

    sc_d = pltpu.async_copy(ones_v, hist_dst.at[iv_d], sem2, add=True)

    load_x.wait()

    @pl.when(w < XW)
    def _():
        @pl.loop(0, 8)
        def _(i):
            sl = pl.ds(i * 16, 16)
            ivx_s[sl] = ivx[0, sl]
            ivx_d[sl] = ivx[1, sl]

        pltpu.sync_copy(ones_v.at[pl.ds(0, 128)],
                        hist_src.at[ivx_s], add=True)
        pltpu.sync_copy(ones_v.at[pl.ds(0, 128)],
                        hist_dst.at[ivx_d], add=True)

    sc_s.wait()
    sc_d.wait()
    plsc.subcore_barrier()

    pltpu.sync_copy(hist_src.at[pl.ds(s * BPT, BPT)], obuf_v)
    pltpu.sync_copy(obuf_v, out_hbm.at[c, 0, pl.ds(s * BPT, BPT)])
    pltpu.sync_copy(hist_dst.at[pl.ds(s * BPT, BPT)], obuf_v)
    pltpu.sync_copy(obuf_v, out_hbm.at[c, 1, pl.ds(s * BPT, BPT)])


_sc_hist = pl.kernel(
    _sc_hist_body,
    out_type=jax.ShapeDtypeStruct((NC, 2, NPAD), jnp.float32),
    mesh=plsc.VectorSubcoreMesh(core_axis_name="c", subcore_axis_name="s",
                                num_cores=NC, num_subcores=NS),
    scratch_types=[
        pltpu.VMEM((2, EPT), jnp.int32),
        pltpu.VMEM((2, 128), jnp.int32),
        pltpu.VMEM((EPT,), jnp.int32),
        pltpu.VMEM((EPT,), jnp.int32),
        pltpu.VMEM((128,), jnp.int32),
        pltpu.VMEM((128,), jnp.int32),
        pltpu.VMEM((EPT,), jnp.float32),
        pltpu.VMEM((BPT,), jnp.float32),
        pltpu.VMEM((BPT,), jnp.float32),
        pltpu.SemaphoreType.DMA,
        pltpu.SemaphoreType.DMA,
        pltpu.VMEM_SHARED((NPAD,), jnp.float32),
        pltpu.VMEM_SHARED((NPAD,), jnp.float32),
    ],
)


def _tc_scale_body(x_ref, p_ref, o_ref):
    p = p_ref[...]
    out_deg = p[0, 0] + p[1, 0]
    in_deg = p[0, 1] + p[1, 1]
    div = jnp.where(in_deg > 0.0, jnp.maximum(out_deg, 1.0), 1.0)
    recip = (1.0 / div)[:N]
    o_ref[...] = x_ref[...] * recip[:, None]


@jax.jit
def kernel(x, edge_index, edge_type, w, b, edge_embeddings):
    del edge_type, w, b, edge_embeddings
    ei = edge_index.astype(jnp.int32)
    ones = jnp.ones((EPT,), jnp.float32)

    partial = _sc_hist(ei, ones)

    return pl.pallas_call(
        _tc_scale_body,
        out_shape=jax.ShapeDtypeStruct((N, D), jnp.float32),
    )(x, partial)

# --- scband reference (transcript-rebuilt; emitter-appended) ---
"""Pipeline reference for scband-rsr-65317862637910 (READ-ONLY COPY).

The authoritative reference and input builder live on the scoring server;
editing this copy changes nothing except your own understanding.
"""

import jax, jax.numpy as jnp
import numpy as np

N = 10000      # n_nodes
E = 320000     # n_edges (avg_degree=32)
D = 128        # node_emb_dim
R = 16         # num_rels
RELD = 16      # rel_emb_dim


def setup_inputs(seed: int = 0) -> dict:
    key = jax.random.key(seed)
    k1, k2, k3, k4, k5, k6 = jax.random.split(key, 6)
    x = jax.random.normal(k1, (N, D), dtype=jnp.float32)
    edge_index = jax.random.randint(k2, (2, E), 0, N, dtype=jnp.int64)
    edge_type = jax.random.randint(k3, (E,), 0, R, dtype=jnp.int64)
    # learned params sized per init_kwargs (implicit mode: input_dim = 2*D + RELD)
    w = jax.random.normal(k4, (2 * D + RELD, 1), dtype=jnp.float32) * 0.05
    b = jax.random.uniform(k5, (1,), dtype=jnp.float32)
    edge_embeddings = jax.random.normal(k6, (R, RELD), dtype=jnp.float32) * 0.05
    return {"x": x, "edge_index": edge_index, "edge_type": edge_type,
            "w": w, "b": b, "edge_embeddings": edge_embeddings}


def reference(x, edge_index, edge_type, w, b, edge_embeddings):
    src = edge_index[0]
    dst = edge_index[1]
    # degree = graph.out_degrees().float().clamp(min=1), gathered at dst nodes
    out_deg = jnp.maximum(jnp.bincount(src, length=N).astype(jnp.float32), 1.0)
    # homo_message (implicit mode)
    src_emb = x[src]
    dst_emb = x[dst]
    e_emb = edge_embeddings[edge_type]
    msg = jnp.concatenate([src_emb, dst_emb, e_emb], axis=-1)
    score = msg @ w + b                      # [E, 1]
    score = jnp.where(score >= 0, score, 0.2 * score)  # LeakyReLU(0.2)
    s = score[:, 0]
    # homo_reduce: softmax over incoming edges per dst node (mailbox dim)
    smax = jax.ops.segment_max(s, dst, num_segments=N)
    smax = jnp.where(jnp.isfinite(smax), smax, 0.0)
    ex = jnp.exp(s - smax[dst])
    denom = jax.ops.segment_sum(ex, dst, num_segments=N)
    soft = ex / denom[dst]
    # score = softmax / degree  (dst node out-degree)
    soft = soft / out_deg[dst]
    # aggr = sum over mailbox of score * e_j, where e_j = dst_emb
    aggr = jax.ops.segment_sum(soft[:, None] * dst_emb, dst, num_segments=N)
    # DGL update_all: nodes with no incoming messages keep old node_emb
    in_deg = jnp.bincount(dst, length=N)
    updated = jnp.where((in_deg > 0)[:, None], aggr, x)
    return updated

if __name__ == "__main__":
    import jax
    _d = setup_inputs()
    print(jax.jit(kernel)(*tuple(_d.values())))

</pallas_src>

<mosaic_0001>
#map = affine_map<(d0, d1) -> (0, 0)>
#map1 = affine_map<(d0, d1) -> (0)>
#map2 = affine_map<(d0, d1) -> (0, 0, 0)>
module attributes {stable_mosaic.version = 14 : i64} {
  func.func @_sc_hist_body(%arg0: i32, %arg1: i32, %arg2: memref<2x320000xi32, #tpu.memory_space<hbm>>, %arg3: memref<9984xf32, #tpu.memory_space<hbm>>, %arg4: memref<2x2x10240xf32, #tpu.memory_space<hbm>>, %arg5: memref<2x9984xi32, #tpu.memory_space<vmem>>, %arg6: memref<2x128xi32, #tpu.memory_space<vmem>>, %arg7: memref<9984xi32, #tpu.memory_space<vmem>>, %arg8: memref<9984xi32, #tpu.memory_space<vmem>>, %arg9: memref<128xi32, #tpu.memory_space<vmem>>, %arg10: memref<128xi32, #tpu.memory_space<vmem>>, %arg11: memref<9984xf32, #tpu.memory_space<vmem>>, %arg12: memref<640xf32, #tpu.memory_space<vmem>>, %arg13: memref<640xf32, #tpu.memory_space<vmem>>, %arg14: memref<!tpu.dma_semaphore, #tpu.memory_space<semaphore_mem>>, %arg15: memref<!tpu.dma_semaphore, #tpu.memory_space<semaphore_mem>>, %arg16: memref<10240xf32, #tpu.memory_space<vmem_shared>>, %arg17: memref<10240xf32, #tpu.memory_space<vmem_shared>>) attributes {dimension_semantics = [#tpu.dimension_semantics<core_parallel>, #tpu.dimension_semantics<subcore_parallel>], iteration_bounds = array<i64: 2, 16>, scalar_prefetch = 0 : i64, scratch_operands = 13 : i64, tpu.core_type = #tpu.core_type<sc_vector_subcore>, window_params = [{transform_indices = #map}, {transform_indices = #map1}, {transform_indices = #map2}]} {
    %mul3A = arith.constant 16 : i32
    %mul3A_0 = arith.muli %arg0, %mul3A : i32
    %add3A = arith.addi %mul3A_0, %arg1 : i32
    %mul3A_1 = arith.constant 9984 : i32
    %mul3A_2 = arith.muli %add3A, %mul3A_1 : i32
    %dma_start3A = arith.constant 0 : i32
    %dma_start3A_3 = tpu.memref_slice %arg2[%dma_start3A, %mul3A_2] : memref<2x320000xi32, #tpu.memory_space<hbm>> -> memref<2x9984xi32, #tpu.memory_space<hbm>>
    %dma_start3A_4 = arith.constant 0 : i32
    %dma_start3A_5 = tpu.memref_slice %arg2[%dma_start3A_4, %mul3A_2] : memref<2x320000xi32, #tpu.memory_space<hbm>> -> memref<2x9984xi32, #tpu.memory_space<hbm>>
    tpu.enqueue_dma source(%dma_start3A_5 : memref<2x9984xi32, #tpu.memory_space<hbm>>) target(%arg5 : memref<2x9984xi32, #tpu.memory_space<vmem>>) target_semaphore(%arg14 : memref<!tpu.dma_semaphore, #tpu.memory_space<semaphore_mem>>)
    %min3A = arith.constant 3 : i32
    %min3A_6 = arith.minsi %add3A, %min3A : i32
    %mul3A_7 = arith.constant 128 : i32
    %mul3A_8 = arith.muli %min3A_6, %mul3A_7 : i32
    %add3A_9 = arith.constant 319488 : i32
    %add3A_10 = arith.addi %add3A_9, %mul3A_8 : i32
    %dma_start3A_11 = arith.constant 0 : i32
    %dma_start3A_12 = tpu.memref_slice %arg2[%dma_start3A_11, %add3A_10] : memref<2x320000xi32, #tpu.memory_space<hbm>> -> memref<2x128xi32, #tpu.memory_space<hbm>>
    %dma_start3A_13 = arith.constant 0 : i32
    %dma_start3A_14 = tpu.memref_slice %arg2[%dma_start3A_13, %add3A_10] : memref<2x320000xi32, #tpu.memory_space<hbm>> -> memref<2x128xi32, #tpu.memory_space<hbm>>
    tpu.enqueue_dma source(%dma_start3A_14 : memref<2x128xi32, #tpu.memory_space<hbm>>) target(%arg6 : memref<2x128xi32, #tpu.memory_space<vmem>>) target_semaphore(%arg14 : memref<!tpu.dma_semaphore, #tpu.memory_space<semaphore_mem>>)
    tpu.enqueue_dma source(%arg3 : memref<9984xf32, #tpu.memory_space<hbm>>) target(%arg11 : memref<9984xf32, #tpu.memory_space<vmem>>) target_semaphore(%arg14 : memref<!tpu.dma_semaphore, #tpu.memory_space<semaphore_mem>>)
    %scan3A = arith.constant 0 : i32
    %scan3A_15 = arith.constant 40 : i32
    %scan3A_16 = arith.addi %scan3A, %scan3A_15 : i32
    %scan3A_17 = arith.constant 1 : i32
    scf.for %scan3A_60 = %scan3A to %scan3A_16 step %scan3A_17  : i32 {
      %mul3A_61 = arith.constant 1 : i32
      %mul3A_62 = arith.muli %scan3A_60, %mul3A_61 : i32
      %add3A_63 = arith.constant 0 : i32
      %add3A_64 = arith.addi %add3A_63, %mul3A_62 : i32
      %broadcast_in_dim3A = arith.constant 0.000000e+00 : f32
      %broadcast_in_dim3A_65 = vector.broadcast %broadcast_in_dim3A : f32 to vector<16xf32>
      %mul3A_66 = arith.constant 16 : i32
      %mul3A_67 = arith.muli %add3A_64, %mul3A_66 : i32
      %swap3A = arith.index_cast %mul3A_67 : i32 to index
      %swap3A_68 = tpu.vector_load %arg12[%swap3A] {strides = array<i32>} : memref<640xf32, #tpu.memory_space<vmem>>, vector<16xf32>,
      %swap3A_69 = vector.shape_cast %swap3A_68 : vector<16xf32> to vector<16xf32>
      %swap3A_70 = vector.shape_cast %broadcast_in_dim3A_65 : vector<16xf32> to vector<16xf32>
      tpu.vector_store %arg12[%swap3A], %swap3A_70 {strides = array<i32>} : memref<640xf32, #tpu.memory_space<vmem>>, vector<16xf32>,
    }
    %scan3A_18 = arith.constant 40 : i32
    %mul3A_19 = arith.constant 640 : i32
    %mul3A_20 = arith.muli %arg1, %mul3A_19 : i32
    "tpu.region"() ({
      %run_scoped3A_60 = tpu.sem_alloc : memref<!tpu.dma_semaphore, #tpu.memory_space<semaphore_mem>>
      %dma_start3A_61 = tpu.memref_slice %arg16[%mul3A_20] : memref<10240xf32, #tpu.memory_space<vmem_shared>> -> memref<640xf32, #tpu.memory_space<vmem_shared>>
      %dma_start3A_62 = tpu.memref_slice %arg16[%mul3A_20] : memref<10240xf32, #tpu.memory_space<vmem_shared>> -> memref<640xf32, #tpu.memory_space<vmem_shared>>
      tpu.enqueue_dma source(%arg12 : memref<640xf32, #tpu.memory_space<vmem>>) target(%dma_start3A_62 : memref<640xf32, #tpu.memory_space<vmem_shared>>) target_semaphore(%run_scoped3A_60 : memref<!tpu.dma_semaphore, #tpu.memory_space<semaphore_mem>>)
      %dma_wait3A_63 = tpu.memref_slice %arg16[%mul3A_20] : memref<10240xf32, #tpu.memory_space<vmem_shared>> -> memref<640xf32, #tpu.memory_space<vmem_shared>>
      %dma_wait3A_64 = tpu.memref_slice %arg16[%mul3A_20] : memref<10240xf32, #tpu.memory_space<vmem_shared>> -> memref<640xf32, #tpu.memory_space<vmem_shared>>
      tpu.wait_dma2 semaphore(%run_scoped3A_60 : memref<!tpu.dma_semaphore, #tpu.memory_space<semaphore_mem>>) src(%arg12 : memref<640xf32, #tpu.memory_space<vmem>>) dst(%dma_wait3A_64 : memref<640xf32, #tpu.memory_space<vmem_shared>>)
      tpu.yield
    }) : () -> ()
    %mul3A_21 = arith.constant 640 : i32
    %mul3A_22 = arith.muli %arg1, %mul3A_21 : i32
    "tpu.region"() ({
      %run_scoped3A_60 = tpu.sem_alloc : memref<!tpu.dma_semaphore, #tpu.memory_space<semaphore_mem>>
      %dma_start3A_61 = tpu.memref_slice %arg17[%mul3A_22] : memref<10240xf32, #tpu.memory_space<vmem_shared>> -> memref<640xf32, #tpu.memory_space<vmem_shared>>
      %dma_start3A_62 = tpu.memref_slice %arg17[%mul3A_22] : memref<10240xf32, #tpu.memory_space<vmem_shared>> -> memref<640xf32, #tpu.memory_space<vmem_shared>>
      tpu.enqueue_dma source(%arg12 : memref<640xf32, #tpu.memory_space<vmem>>) target(%dma_start3A_62 : memref<640xf32, #tpu.memory_space<vmem_shared>>) target_semaphore(%run_scoped3A_60 : memref<!tpu.dma_semaphore, #tpu.memory_space<semaphore_mem>>)
      %dma_wait3A_63 = tpu.memref_slice %arg17[%mul3A_22] : memref<10240xf32, #tpu.memory_space<vmem_shared>> -> memref<640xf32, #tpu.memory_space<vmem_shared>>
      %dma_wait3A_64 = tpu.memref_slice %arg17[%mul3A_22] : memref<10240xf32, #tpu.memory_space<vmem_shared>> -> memref<640xf32, #tpu.memory_space<vmem_shared>>
      tpu.wait_dma2 semaphore(%run_scoped3A_60 : memref<!tpu.dma_semaphore, #tpu.memory_space<semaphore_mem>>) src(%arg12 : memref<640xf32, #tpu.memory_space<vmem>>) dst(%dma_wait3A_64 : memref<640xf32, #tpu.memory_space<vmem_shared>>)
      tpu.yield
    }) : () -> ()
    %dma_wait3A = arith.constant 0 : i32
    %dma_wait3A_23 = tpu.memref_slice %arg2[%dma_wait3A, %mul3A_2] : memref<2x320000xi32, #tpu.memory_space<hbm>> -> memref<2x9984xi32, #tpu.memory_space<hbm>>
    %dma_wait3A_24 = arith.constant 0 : i32
    %dma_wait3A_25 = tpu.memref_slice %arg2[%dma_wait3A_24, %mul3A_2] : memref<2x320000xi32, #tpu.memory_space<hbm>> -> memref<2x9984xi32, #tpu.memory_space<hbm>>
    tpu.wait_dma2 semaphore(%arg14 : memref<!tpu.dma_semaphore, #tpu.memory_space<semaphore_mem>>) src(%dma_wait3A_25 : memref<2x9984xi32, #tpu.memory_space<hbm>>) dst(%arg5 : memref<2x9984xi32, #tpu.memory_space<vmem>>)
    %scan3A_26 = arith.constant 0 : i32
    %scan3A_27 = arith.constant 624 : i32
    %scan3A_28 = arith.addi %scan3A_26, %scan3A_27 : i32
    %scan3A_29 = arith.constant 8 : i32
    scf.for %scan3A_60 = %scan3A_26 to %scan3A_28 step %scan3A_29  : i32 {
      %mul3A_61 = arith.constant 1 : i32
      %mul3A_62 = arith.muli %scan3A_60, %mul3A_61 : i32
      %add3A_63 = arith.constant 0 : i32
      %add3A_64 = arith.addi %add3A_63, %mul3A_62 : i32
      %mul3A_65 = arith.constant 16 : i32
      %mul3A_66 = arith.muli %add3A_64, %mul3A_65 : i32
      %get3A = arith.constant 0 : i32
      %get3A_67 = arith.index_cast %get3A : i32 to index
      %get3A_68 = arith.index_cast %mul3A_66 : i32 to index
      %get3A_69 = tpu.vector_load %arg5[%get3A_67, %get3A_68] {strides = array<i32>} : memref<2x9984xi32, #tpu.memory_space<vmem>>, vector<1x16xi32>,
      %get3A_70 = vector.shape_cast %get3A_69 : vector<1x16xi32> to vector<16xi32>
      %swap3A = arith.index_cast %mul3A_66 : i32 to index
      %swap3A_71 = tpu.vector_load %arg7[%swap3A] {strides = array<i32>} : memref<9984xi32, #tpu.memory_space<vmem>>, vector<16xi32>,
      %swap3A_72 = vector.shape_cast %swap3A_71 : vector<16xi32> to vector<16xi32>
      %swap3A_73 = vector.shape_cast %get3A_70 : vector<16xi32> to vector<16xi32>
      tpu.vector_store %arg7[%swap3A], %swap3A_73 {strides = array<i32>} : memref<9984xi32, #tpu.memory_space<vmem>>, vector<16xi32>,
      %scan3A_74 = arith.constant 1 : i32
      %scan3A_75 = arith.addi %scan3A_60, %scan3A_74 : i32
      %mul3A_76 = arith.constant 1 : i32
      %mul3A_77 = arith.muli %scan3A_75, %mul3A_76 : i32
      %add3A_78 = arith.constant 0 : i32
      %add3A_79 = arith.addi %add3A_78, %mul3A_77 : i32
      %mul3A_80 = arith.constant 16 : i32
      %mul3A_81 = arith.muli %add3A_79, %mul3A_80 : i32
      %get3A_82 = arith.constant 0 : i32
      %get3A_83 = arith.index_cast %get3A_82 : i32 to index
      %get3A_84 = arith.index_cast %mul3A_81 : i32 to index
      %get3A_85 = tpu.vector_load %arg5[%get3A_83, %get3A_84] {strides = array<i32>} : memref<2x9984xi32, #tpu.memory_space<vmem>>, vector<1x16xi32>,
      %get3A_86 = vector.shape_cast %get3A_85 : vector<1x16xi32> to vector<16xi32>
      %swap3A_87 = arith.index_cast %mul3A_81 : i32 to index
      %swap3A_88 = tpu.vector_load %arg7[%swap3A_87] {strides = array<i32>} : memref<9984xi32, #tpu.memory_space<vmem>>, vector<16xi32>,
      %swap3A_89 = vector.shape_cast %swap3A_88 : vector<16xi32> to vector<16xi32>
      %swap3A_90 = vector.shape_cast %get3A_86 : vector<16xi32> to vector<16xi32>
      tpu.vector_store %arg7[%swap3A_87], %swap3A_90 {strides = array<i32>} : memref<9984xi32, #tpu.memory_space<vmem>>, vector<16xi32>,
      %scan3A_91 = arith.constant 2 : i32
      %scan3A_92 = arith.addi %scan3A_60, %scan3A_91 : i32
      %mul3A_93 = arith.constant 1 : i32
      %mul3A_94 = arith.muli %scan3A_92, %mul3A_93 : i32
      %add3A_95 = arith.constant 0 : i32
      %add3A_96 = arith.addi %add3A_95, %mul3A_94 : i32
      %mul3A_97 = arith.constant 16 : i32
      %mul3A_98 = arith.muli %add3A_96, %mul3A_97 : i32
      %get3A_99 = arith.constant 0 : i32
      %get3A_100 = arith.index_cast %get3A_99 : i32 to index
      %get3A_101 = arith.index_cast %mul3A_98 : i32 to index
      %get3A_102 = tpu.vector_load %arg5[%get3A_100, %get3A_101] {strides = array<i32>} : memref<2x9984xi32, #tpu.memory_space<vmem>>, vector<1x16xi32>,
      %get3A_103 = vector.shape_cast %get3A_102 : vector<1x16xi32> to vector<16xi32>
      %swap3A_104 = arith.index_cast %mul3A_98 : i32 to index
      %swap3A_105 = tpu.vector_load %arg7[%swap3A_104] {strides = array<i32>} : memref<9984xi32, #tpu.memory_space<vmem>>, vector<16xi32>,
      %swap3A_106 = vector.shape_cast %swap3A_105 : vector<16xi32> to vector<16xi32>
      %swap3A_107 = vector.shape_cast %get3A_103 : vector<16xi32> to vector<16xi32>
      tpu.vector_store %arg7[%swap3A_104], %swap3A_107 {strides = array<i32>} : memref<9984xi32, #tpu.memory_space<vmem>>, vector<16xi32>,
      %scan3A_108 = arith.constant 3 : i32
      %scan3A_109 = arith.addi %scan3A_60, %scan3A_108 : i32
      %mul3A_110 = arith.constant 1 : i32
      %mul3A_111 = arith.muli %scan3A_109, %mul3A_110 : i32
      %add3A_112 = arith.constant 0 : i32
      %add3A_113 = arith.addi %add3A_112, %mul3A_111 : i32
      %mul3A_114 = arith.constant 16 : i32
      %mul3A_115 = arith.muli %add3A_113, %mul3A_114 : i32
      %get3A_116 = arith.constant 0 : i32
      %get3A_117 = arith.index_cast %get3A_116 : i32 to index
      %get3A_118 = arith.index_cast %mul3A_115 : i32 to index
      %get3A_119 = tpu.vector_load %arg5[%get3A_117, %get3A_118] {strides = array<i32>} : memref<2x9984xi32, #tpu.memory_space<vmem>>, vector<1x16xi32>,
      %get3A_120 = vector.shape_cast %get3A_119 : vector<1x16xi32> to vector<16xi32>
      %swap3A_121 = arith.index_cast %mul3A_115 : i32 to index
      %swap3A_122 = tpu.vector_load %arg7[%swap3A_121] {strides = array<i32>} : memref<9984xi32, #tpu.memory_space<vmem>>, vector<16xi32>,
      %swap3A_123 = vector.shape_cast %swap3A_122 : vector<16xi32> to vector<16xi32>
      %swap3A_124 = vector.shape_cast %get3A_120 : vector<16xi32> to vector<16xi32>
      tpu.vector_store %arg7[%swap3A_121], %swap3A_124 {strides = array<i32>} : memref<9984xi32, #tpu.memory_space<vmem>>, vector<16xi32>,
      %scan3A_125 = arith.constant 4 : i32
      %scan3A_126 = arith.addi %scan3A_60, %scan3A_125 : i32
      %mul3A_127 = arith.constant 1 : i32
      %mul3A_128 = arith.muli %scan3A_126, %mul3A_127 : i32
      %add3A_129 = arith.constant 0 : i32
      %add3A_130 = arith.addi %add3A_129, %mul3A_128 : i32
      %mul3A_131 = arith.constant 16 : i32
      %mul3A_132 = arith.muli %add3A_130, %mul3A_131 : i32
      %get3A_133 = arith.constant 0 : i32
      %get3A_134 = arith.index_cast %get3A_133 : i32 to index
      %get3A_135 = arith.index_cast %mul3A_132 : i32 to index
      %get3A_136 = tpu.vector_load %arg5[%get3A_134, %get3A_135] {strides = array<i32>} : memref<2x9984xi32, #tpu.memory_space<vmem>>, vector<1x16xi32>,
      %get3A_137 = vector.shape_cast %get3A_136 : vector<1x16xi32> to vector<16xi32>
      %swap3A_138 = arith.index_cast %mul3A_132 : i32 to index
      %swap3A_139 = tpu.vector_load %arg7[%swap3A_138] {strides = array<i32>} : memref<9984xi32, #tpu.memory_space<vmem>>, vector<16xi32>,
      %swap3A_140 = vector.shape_cast %swap3A_139 : vector<16xi32> to vector<16xi32>
      %swap3A_141 = vector.shape_cast %get3A_137 : vector<16xi32> to vector<16xi32>
      tpu.vector_store %arg7[%swap3A_138], %swap3A_141 {strides = array<i32>} : memref<9984xi32, #tpu.memory_space<vmem>>, vector<16xi32>,
      %scan3A_142 = arith.constant 5 : i32
      %scan3A_143 = arith.addi %scan3A_60, %scan3A_142 : i32
      %mul3A_144 = arith.constant 1 : i32
      %mul3A_145 = arith.muli %scan3A_143, %mul3A_144 : i32
      %add3A_146 = arith.constant 0 : i32
      %add3A_147 = arith.addi %add3A_146, %mul3A_145 : i32
      %mul3A_148 = arith.constant 16 : i32
      %mul3A_149 = arith.muli %add3A_147, %mul3A_148 : i32
      %get3A_150 = arith.constant 0 : i32
      %get3A_151 = arith.index_cast %get3A_150 : i32 to index
      %get3A_152 = arith.index_cast %mul3A_149 : i32 to index
      %get3A_153 = tpu.vector_load %arg5[%get3A_151, %get3A_152] {strides = array<i32>} : memref<2x9984xi32, #tpu.memory_space<vmem>>, vector<1x16xi32>,
      %get3A_154 = vector.shape_cast %get3A_153 : vector<1x16xi32> to vector<16xi32>
      %swap3A_155 = arith.index_cast %mul3A_149 : i32 to index
      %swap3A_156 = tpu.vector_load %arg7[%swap3A_155] {strides = array<i32>} : memref<9984xi32, #tpu.memory_space<vmem>>, vector<16xi32>,
      %swap3A_157 = vector.shape_cast %swap3A_156 : vector<16xi32> to vector<16xi32>
      %swap3A_158 = vector.shape_cast %get3A_154 : vector<16xi32> to vector<16xi32>
      tpu.vector_store %arg7[%swap3A_155], %swap3A_158 {strides = array<i32>} : memref<9984xi32, #tpu.memory_space<vmem>>, vector<16xi32>,
      %scan3A_159 = arith.constant 6 : i32
      %scan3A_160 = arith.addi %scan3A_60, %scan3A_159 : i32
      %mul3A_161 = arith.constant 1 : i32
      %mul3A_162 = arith.muli %scan3A_160, %mul3A_161 : i32
      %add3A_163 = arith.constant 0 : i32
      %add3A_164 = arith.addi %add3A_163, %mul3A_162 : i32
      %mul3A_165 = arith.constant 16 : i32
      %mul3A_166 = arith.muli %add3A_164, %mul3A_165 : i32
      %get3A_167 = arith.constant 0 : i32
      %get3A_168 = arith.index_cast %get3A_167 : i32 to index
      %get3A_169 = arith.index_cast %mul3A_166 : i32 to index
      %get3A_170 = tpu.vector_load %arg5[%get3A_168, %get3A_169] {strides = array<i32>} : memref<2x9984xi32, #tpu.memory_space<vmem>>, vector<1x16xi32>,
      %get3A_171 = vector.shape_cast %get3A_170 : vector<1x16xi32> to vector<16xi32>
      %swap3A_172 = arith.index_cast %mul3A_166 : i32 to index
      %swap3A_173 = tpu.vector_load %arg7[%swap3A_172] {strides = array<i32>} : memref<9984xi32, #tpu.memory_space<vmem>>, vector<16xi32>,
      %swap3A_174 = vector.shape_cast %swap3A_173 : vector<16xi32> to vector<16xi32>
      %swap3A_175 = vector.shape_cast %get3A_171 : vector<16xi32> to vector<16xi32>
      tpu.vector_store %arg7[%swap3A_172], %swap3A_175 {strides = array<i32>} : memref<9984xi32, #tpu.memory_space<vmem>>, vector<16xi32>,
      %scan3A_176 = arith.constant 7 : i32
      %scan3A_177 = arith.addi %scan3A_60, %scan3A_176 : i32
      %mul3A_178 = arith.constant 1 : i32
      %mul3A_179 = arith.muli %scan3A_177, %mul3A_178 : i32
      %add3A_180 = arith.constant 0 : i32
      %add3A_181 = arith.addi %add3A_180, %mul3A_179 : i32
      %mul3A_182 = arith.constant 16 : i32
      %mul3A_183 = arith.muli %add3A_181, %mul3A_182 : i32
      %get3A_184 = arith.constant 0 : i32
      %get3A_185 = arith.index_cast %get3A_184 : i32 to index
      %get3A_186 = arith.index_cast %mul3A_183 : i32 to index
      %get3A_187 = tpu.vector_load %arg5[%get3A_185, %get3A_186] {strides = array<i32>} : memref<2x9984xi32, #tpu.memory_space<vmem>>, vector<1x16xi32>,
      %get3A_188 = vector.shape_cast %get3A_187 : vector<1x16xi32> to vector<16xi32>
      %swap3A_189 = arith.index_cast %mul3A_183 : i32 to index
      %swap3A_190 = tpu.vector_load %arg7[%swap3A_189] {strides = array<i32>} : memref<9984xi32, #tpu.memory_space<vmem>>, vector<16xi32>,
      %swap3A_191 = vector.shape_cast %swap3A_190 : vector<16xi32> to vector<16xi32>
      %swap3A_192 = vector.shape_cast %get3A_188 : vector<16xi32> to vector<16xi32>
      tpu.vector_store %arg7[%swap3A_189], %swap3A_192 {strides = array<i32>} : memref<9984xi32, #tpu.memory_space<vmem>>, vector<16xi32>,
    }
    %scan3A_30 = arith.constant 624 : i32
    %barrier3A = arith.constant 0 : index
    tpu.barrier barrier_id(%barrier3A)
    tpu.wait_dma2 semaphore(%arg14 : memref<!tpu.dma_semaphore, #tpu.memory_space<semaphore_mem>>) src(%arg3 : memref<9984xf32, #tpu.memory_space<hbm>>) dst(%arg11 : memref<9984xf32, #tpu.memory_space<vmem>>)
    %dma_start3A_31 = arith.constant 0 : i32
    %dma_start3A_32 = tpu.memref_slice %arg16[%dma_start3A_31] : memref<10240xf32, #tpu.memory_space<vmem_shared>> -> memref<10240xf32, #tpu.memory_space<vmem_shared>>
    tpu.enqueue_indirect_dma source(%arg11 : memref<9984xf32, #tpu.memory_space<vmem>>) target(%dma_start3A_32 : memref<10240xf32, #tpu.memory_space<vmem_shared>>) offsets(%arg7 : memref<9984xi32, #tpu.memory_space<vmem>>) semaphore(%arg15 : memref<!tpu.dma_semaphore, #tpu.memory_space<semaphore_mem>>) {add = true}
    %scan3A_33 = arith.constant 0 : i32
    %scan3A_34 = arith.constant 624 : i32
    %scan3A_35 = arith.addi %scan3A_33, %scan3A_34 : i32
    %scan3A_36 = arith.constant 8 : i32
    scf.for %scan3A_60 = %scan3A_33 to %scan3A_35 step %scan3A_36  : i32 {
      %mul3A_61 = arith.constant 1 : i32
      %mul3A_62 = arith.muli %scan3A_60, %mul3A_61 : i32
      %add3A_63 = arith.constant 0 : i32
      %add3A_64 = arith.addi %add3A_63, %mul3A_62 : i32
      %mul3A_65 = arith.constant 16 : i32
      %mul3A_66 = arith.muli %add3A_64, %mul3A_65 : i32
      %get3A = arith.constant 1 : i32
      %get3A_67 = arith.index_cast %get3A : i32 to index
      %get3A_68 = arith.index_cast %mul3A_66 : i32 to index
      %get3A_69 = tpu.vector_load %arg5[%get3A_67, %get3A_68] {strides = array<i32>} : memref<2x9984xi32, #tpu.memory_space<vmem>>, vector<1x16xi32>,
      %get3A_70 = vector.shape_cast %get3A_69 : vector<1x16xi32> to vector<16xi32>
      %swap3A = arith.index_cast %mul3A_66 : i32 to index
      %swap3A_71 = tpu.vector_load %arg8[%swap3A] {strides = array<i32>} : memref<9984xi32, #tpu.memory_space<vmem>>, vector<16xi32>,
      %swap3A_72 = vector.shape_cast %swap3A_71 : vector<16xi32> to vector<16xi32>
      %swap3A_73 = vector.shape_cast %get3A_70 : vector<16xi32> to vector<16xi32>
      tpu.vector_store %arg8[%swap3A], %swap3A_73 {strides = array<i32>} : memref<9984xi32, #tpu.memory_space<vmem>>, vector<16xi32>,
      %scan3A_74 = arith.constant 1 : i32
      %scan3A_75 = arith.addi %scan3A_60, %scan3A_74 : i32
      %mul3A_76 = arith.constant 1 : i32
      %mul3A_77 = arith.muli %scan3A_75, %mul3A_76 : i32
      %add3A_78 = arith.constant 0 : i32
      %add3A_79 = arith.addi %add3A_78, %mul3A_77 : i32
      %mul3A_80 = arith.constant 16 : i32
      %mul3A_81 = arith.muli %add3A_79, %mul3A_80 : i32
      %get3A_82 = arith.constant 1 : i32
      %get3A_83 = arith.index_cast %get3A_82 : i32 to index
      %get3A_84 = arith.index_cast %mul3A_81 : i32 to index
      %get3A_85 = tpu.vector_load %arg5[%get3A_83, %get3A_84] {strides = array<i32>} : memref<2x9984xi32, #tpu.memory_space<vmem>>, vector<1x16xi32>,
      %get3A_86 = vector.shape_cast %get3A_85 : vector<1x16xi32> to vector<16xi32>
      %swap3A_87 = arith.index_cast %mul3A_81 : i32 to index
      %swap3A_88 = tpu.vector_load %arg8[%swap3A_87] {strides = array<i32>} : memref<9984xi32, #tpu.memory_space<vmem>>, vector<16xi32>,
      %swap3A_89 = vector.shape_cast %swap3A_88 : vector<16xi32> to vector<16xi32>
      %swap3A_90 = vector.shape_cast %get3A_86 : vector<16xi32> to vector<16xi32>
      tpu.vector_store %arg8[%swap3A_87], %swap3A_90 {strides = array<i32>} : memref<9984xi32, #tpu.memory_space<vmem>>, vector<16xi32>,
      %scan3A_91 = arith.constant 2 : i32
      %scan3A_92 = arith.addi %scan3A_60, %scan3A_91 : i32
      %mul3A_93 = arith.constant 1 : i32
      %mul3A_94 = arith.muli %scan3A_92, %mul3A_93 : i32
      %add3A_95 = arith.constant 0 : i32
      %add3A_96 = arith.addi %add3A_95, %mul3A_94 : i32
      %mul3A_97 = arith.constant 16 : i32
      %mul3A_98 = arith.muli %add3A_96, %mul3A_97 : i32
      %get3A_99 = arith.constant 1 : i32
      %get3A_100 = arith.index_cast %get3A_99 : i32 to index
      %get3A_101 = arith.index_cast %mul3A_98 : i32 to index
      %get3A_102 = tpu.vector_load %arg5[%get3A_100, %get3A_101] {strides = array<i32>} : memref<2x9984xi32, #tpu.memory_space<vmem>>, vector<1x16xi32>,
      %get3A_103 = vector.shape_cast %get3A_102 : vector<1x16xi32> to vector<16xi32>
      %swap3A_104 = arith.index_cast %mul3A_98 : i32 to index
      %swap3A_105 = tpu.vector_load %arg8[%swap3A_104] {strides = array<i32>} : memref<9984xi32, #tpu.memory_space<vmem>>, vector<16xi32>,
      %swap3A_106 = vector.shape_cast %swap3A_105 : vector<16xi32> to vector<16xi32>
      %swap3A_107 = vector.shape_cast %get3A_103 : vector<16xi32> to vector<16xi32>
      tpu.vector_store %arg8[%swap3A_104], %swap3A_107 {strides = array<i32>} : memref<9984xi32, #tpu.memory_space<vmem>>, vector<16xi32>,
      %scan3A_108 = arith.constant 3 : i32
      %scan3A_109 = arith.addi %scan3A_60, %scan3A_108 : i32
      %mul3A_110 = arith.constant 1 : i32
      %mul3A_111 = arith.muli %scan3A_109, %mul3A_110 : i32
      %add3A_112 = arith.constant 0 : i32
      %add3A_113 = arith.addi %add3A_112, %mul3A_111 : i32
      %mul3A_114 = arith.constant 16 : i32
      %mul3A_115 = arith.muli %add3A_113, %mul3A_114 : i32
      %get3A_116 = arith.constant 1 : i32
      %get3A_117 = arith.index_cast %get3A_116 : i32 to index
      %get3A_118 = arith.index_cast %mul3A_115 : i32 to index
      %get3A_119 = tpu.vector_load %arg5[%get3A_117, %get3A_118] {strides = array<i32>} : memref<2x9984xi32, #tpu.memory_space<vmem>>, vector<1x16xi32>,
      %get3A_120 = vector.shape_cast %get3A_119 : vector<1x16xi32> to vector<16xi32>
      %swap3A_121 = arith.index_cast %mul3A_115 : i32 to index
      %swap3A_122 = tpu.vector_load %arg8[%swap3A_121] {strides = array<i32>} : memref<9984xi32, #tpu.memory_space<vmem>>, vector<16xi32>,
      %swap3A_123 = vector.shape_cast %swap3A_122 : vector<16xi32> to vector<16xi32>
      %swap3A_124 = vector.shape_cast %get3A_120 : vector<16xi32> to vector<16xi32>
      tpu.vector_store %arg8[%swap3A_121], %swap3A_124 {strides = array<i32>} : memref<9984xi32, #tpu.memory_space<vmem>>, vector<16xi32>,
      %scan3A_125 = arith.constant 4 : i32
      %scan3A_126 = arith.addi %scan3A_60, %scan3A_125 : i32
      %mul3A_127 = arith.constant 1 : i32
      %mul3A_128 = arith.muli %scan3A_126, %mul3A_127 : i32
      %add3A_129 = arith.constant 0 : i32
      %add3A_130 = arith.addi %add3A_129, %mul3A_128 : i32
      %mul3A_131 = arith.constant 16 : i32
      %mul3A_132 = arith.muli %add3A_130, %mul3A_131 : i32
      %get3A_133 = arith.constant 1 : i32
      %get3A_134 = arith.index_cast %get3A_133 : i32 to index
      %get3A_135 = arith.index_cast %mul3A_132 : i32 to index
      %get3A_136 = tpu.vector_load %arg5[%get3A_134, %get3A_135] {strides = array<i32>} : memref<2x9984xi32, #tpu.memory_space<vmem>>, vector<1x16xi32>,
      %get3A_137 = vector.shape_cast %get3A_136 : vector<1x16xi32> to vector<16xi32>
      %swap3A_138 = arith.index_cast %mul3A_132 : i32 to index
      %swap3A_139 = tpu.vector_load %arg8[%swap3A_138] {strides = array<i32>} : memref<9984xi32, #tpu.memory_space<vmem>>, vector<16xi32>,
      %swap3A_140 = vector.shape_cast %swap3A_139 : vector<16xi32> to vector<16xi32>
      %swap3A_141 = vector.shape_cast %get3A_137 : vector<16xi32> to vector<16xi32>
      tpu.vector_store %arg8[%swap3A_138], %swap3A_141 {strides = array<i32>} : memref<9984xi32, #tpu.memory_space<vmem>>, vector<16xi32>,
      %scan3A_142 = arith.constant 5 : i32
      %scan3A_143 = arith.addi %scan3A_60, %scan3A_142 : i32
      %mul3A_144 = arith.constant 1 : i32
      %mul3A_145 = arith.muli %scan3A_143, %mul3A_144 : i32
      %add3A_146 = arith.constant 0 : i32
      %add3A_147 = arith.addi %add3A_146, %mul3A_145 : i32
      %mul3A_148 = arith.constant 16 : i32
      %mul3A_149 = arith.muli %add3A_147, %mul3A_148 : i32
      %get3A_150 = arith.constant 1 : i32
      %get3A_151 = arith.index_cast %get3A_150 : i32 to index
      %get3A_152 = arith.index_cast %mul3A_149 : i32 to index
      %get3A_153 = tpu.vector_load %arg5[%get3A_151, %get3A_152] {strides = array<i32>} : memref<2x9984xi32, #tpu.memory_space<vmem>>, vector<1x16xi32>,
      %get3A_154 = vector.shape_cast %get3A_153 : vector<1x16xi32> to vector<16xi32>
      %swap3A_155 = arith.index_cast %mul3A_149 : i32 to index
      %swap3A_156 = tpu.vector_load %arg8[%swap3A_155] {strides = array<i32>} : memref<9984xi32, #tpu.memory_space<vmem>>, vector<16xi32>,
      %swap3A_157 = vector.shape_cast %swap3A_156 : vector<16xi32> to vector<16xi32>
      %swap3A_158 = vector.shape_cast %get3A_154 : vector<16xi32> to vector<16xi32>
      tpu.vector_store %arg8[%swap3A_155], %swap3A_158 {strides = array<i32>} : memref<9984xi32, #tpu.memory_space<vmem>>, vector<16xi32>,
      %scan3A_159 = arith.constant 6 : i32
      %scan3A_160 = arith.addi %scan3A_60, %scan3A_159 : i32
      %mul3A_161 = arith.constant 1 : i32
      %mul3A_162 = arith.muli %scan3A_160, %mul3A_161 : i32
      %add3A_163 = arith.constant 0 : i32
      %add3A_164 = arith.addi %add3A_163, %mul3A_162 : i32
      %mul3A_165 = arith.constant 16 : i32
      %mul3A_166 = arith.muli %add3A_164, %mul3A_165 : i32
      %get3A_167 = arith.constant 1 : i32
      %get3A_168 = arith.index_cast %get3A_167 : i32 to index
      %get3A_169 = arith.index_cast %mul3A_166 : i32 to index
      %get3A_170 = tpu.vector_load %arg5[%get3A_168, %get3A_169] {strides = array<i32>} : memref<2x9984xi32, #tpu.memory_space<vmem>>, vector<1x16xi32>,
      %get3A_171 = vector.shape_cast %get3A_170 : vector<1x16xi32> to vector<16xi32>
      %swap3A_172 = arith.index_cast %mul3A_166 : i32 to index
      %swap3A_173 = tpu.vector_load %arg8[%swap3A_172] {strides = array<i32>} : memref<9984xi32, #tpu.memory_space<vmem>>, vector<16xi32>,
      %swap3A_174 = vector.shape_cast %swap3A_173 : vector<16xi32> to vector<16xi32>
      %swap3A_175 = vector.shape_cast %get3A_171 : vector<16xi32> to vector<16xi32>
      tpu.vector_store %arg8[%swap3A_172], %swap3A_175 {strides = array<i32>} : memref<9984xi32, #tpu.memory_space<vmem>>, vector<16xi32>,
      %scan3A_176 = arith.constant 7 : i32
      %scan3A_177 = arith.addi %scan3A_60, %scan3A_176 : i32
      %mul3A_178 = arith.constant 1 : i32
      %mul3A_179 = arith.muli %scan3A_177, %mul3A_178 : i32
      %add3A_180 = arith.constant 0 : i32
      %add3A_181 = arith.addi %add3A_180, %mul3A_179 : i32
      %mul3A_182 = arith.constant 16 : i32
      %mul3A_183 = arith.muli %add3A_181, %mul3A_182 : i32
      %get3A_184 = arith.constant 1 : i32
      %get3A_185 = arith.index_cast %get3A_184 : i32 to index
      %get3A_186 = arith.index_cast %mul3A_183 : i32 to index
      %get3A_187 = tpu.vector_load %arg5[%get3A_185, %get3A_186] {strides = array<i32>} : memref<2x9984xi32, #tpu.memory_space<vmem>>, vector<1x16xi32>,
      %get3A_188 = vector.shape_cast %get3A_187 : vector<1x16xi32> to vector<16xi32>
      %swap3A_189 = arith.index_cast %mul3A_183 : i32 to index
      %swap3A_190 = tpu.vector_load %arg8[%swap3A_189] {strides = array<i32>} : memref<9984xi32, #tpu.memory_space<vmem>>, vector<16xi32>,
      %swap3A_191 = vector.shape_cast %swap3A_190 : vector<16xi32> to vector<16xi32>
      %swap3A_192 = vector.shape_cast %get3A_188 : vector<16xi32> to vector<16xi32>
      tpu.vector_store %arg8[%swap3A_189], %swap3A_192 {strides = array<i32>} : memref<9984xi32, #tpu.memory_space<vmem>>, vector<16xi32>,
    }
    %scan3A_37 = arith.constant 624 : i32
    %dma_start3A_38 = arith.constant 0 : i32
    %dma_start3A_39 = tpu.memref_slice %arg17[%dma_start3A_38] : memref<10240xf32, #tpu.memory_space<vmem_shared>> -> memref<10240xf32, #tpu.memory_space<vmem_shared>>
    tpu.enqueue_indirect_dma source(%arg11 : memref<9984xf32, #tpu.memory_space<vmem>>) target(%dma_start3A_39 : memref<10240xf32, #tpu.memory_space<vmem_shared>>) offsets(%arg8 : memref<9984xi32, #tpu.memory_space<vmem>>) semaphore(%arg15 : memref<!tpu.dma_semaphore, #tpu.memory_space<semaphore_mem>>) {add = true}
    %dma_wait3A_40 = arith.constant 0 : i32
    %dma_wait3A_41 = tpu.memref_slice %arg2[%dma_wait3A_40, %add3A_10] : memref<2x320000xi32, #tpu.memory_space<hbm>> -> memref<2x128xi32, #tpu.memory_space<hbm>>
    %dma_wait3A_42 = arith.constant 0 : i32
    %dma_wait3A_43 = tpu.memref_slice %arg2[%dma_wait3A_42, %add3A_10] : memref<2x320000xi32, #tpu.memory_space<hbm>> -> memref<2x128xi32, #tpu.memory_space<hbm>>
    tpu.wait_dma2 semaphore(%arg14 : memref<!tpu.dma_semaphore, #tpu.memory_space<semaphore_mem>>) src(%dma_wait3A_43 : memref<2x128xi32, #tpu.memory_space<hbm>>) dst(%arg6 : memref<2x128xi32, #tpu.memory_space<vmem>>)
    %lt3A = arith.constant 4 : i32
    %lt3A_44 = arith.cmpi slt, %add3A, %lt3A : i32
    %convert_element_type3A = arith.extui %lt3A_44 : i1 to i32
    %cond3A = arith.constant 0 : i32
    %cond3A_45 = arith.cmpi ne, %convert_element_type3A, %cond3A : i32
    scf.if %cond3A_45 {
      %scan3A_60 = arith.constant 0 : i32
      %scan3A_61 = arith.constant 8 : i32
      %scan3A_62 = arith.addi %scan3A_60, %scan3A_61 : i32
      %scan3A_63 = arith.constant 1 : i32
      scf.for %scan3A_65 = %scan3A_60 to %scan3A_62 step %scan3A_63  : i32 {
        %mul3A_66 = arith.constant 1 : i32
        %mul3A_67 = arith.muli %scan3A_65, %mul3A_66 : i32
        %add3A_68 = arith.constant 0 : i32
        %add3A_69 = arith.addi %add3A_68, %mul3A_67 : i32
        %mul3A_70 = arith.constant 16 : i32
        %mul3A_71 = arith.muli %add3A_69, %mul3A_70 : i32
        %get3A = arith.constant 0 : i32
        %get3A_72 = arith.index_cast %get3A : i32 to index
        %get3A_73 = arith.index_cast %mul3A_71 : i32 to index
        %get3A_74 = tpu.vector_load %arg6[%get3A_72, %get3A_73] {strides = array<i32>} : memref<2x128xi32, #tpu.memory_space<vmem>>, vector<1x16xi32>,
        %get3A_75 = vector.shape_cast %get3A_74 : vector<1x16xi32> to vector<16xi32>
        %swap3A = arith.index_cast %mul3A_71 : i32 to index
        %swap3A_76 = tpu.vector_load %arg9[%swap3A] {strides = array<i32>} : memref<128xi32, #tpu.memory_space<vmem>>, vector<16xi32>,
        %swap3A_77 = vector.shape_cast %swap3A_76 : vector<16xi32> to vector<16xi32>
        %swap3A_78 = vector.shape_cast %get3A_75 : vector<16xi32> to vector<16xi32>
        tpu.vector_store %arg9[%swap3A], %swap3A_78 {strides = array<i32>} : memref<128xi32, #tpu.memory_space<vmem>>, vector<16xi32>,
        %get3A_79 = arith.constant 1 : i32
        %get3A_80 = arith.index_cast %get3A_79 : i32 to index
        %get3A_81 = arith.index_cast %mul3A_71 : i32 to index
        %get3A_82 = tpu.vector_load %arg6[%get3A_80, %get3A_81] {strides = array<i32>} : memref<2x128xi32, #tpu.memory_space<vmem>>, vector<1x16xi32>,
        %get3A_83 = vector.shape_cast %get3A_82 : vector<1x16xi32> to vector<16xi32>
        %swap3A_84 = arith.index_cast %mul3A_71 : i32 to index
        %swap3A_85 = tpu.vector_load %arg10[%swap3A_84] {strides = array<i32>} : memref<128xi32, #tpu.memory_space<vmem>>, vector<16xi32>,
        %swap3A_86 = vector.shape_cast %swap3A_85 : vector<16xi32> to vector<16xi32>
        %swap3A_87 = vector.shape_cast %get3A_83 : vector<16xi32> to vector<16xi32>
        tpu.vector_store %arg10[%swap3A_84], %swap3A_87 {strides = array<i32>} : memref<128xi32, #tpu.memory_space<vmem>>, vector<16xi32>,
      }
      %scan3A_64 = arith.constant 8 : i32
      "tpu.region"() ({
        %run_scoped3A_65 = tpu.sem_alloc : memref<!tpu.dma_semaphore, #tpu.memory_space<semaphore_mem>>
        %dma_start3A_66 = arith.constant 0 : i32
        %dma_start3A_67 = tpu.memref_slice %arg11[%dma_start3A_66] : memref<9984xf32, #tpu.memory_space<vmem>> -> memref<128xf32, #tpu.memory_space<vmem>>
        %dma_start3A_68 = arith.constant 0 : i32
        %dma_start3A_69 = tpu.memref_slice %arg16[%dma_start3A_68] : memref<10240xf32, #tpu.memory_space<vmem_shared>> -> memref<10240xf32, #tpu.memory_space<vmem_shared>>
        tpu.enqueue_indirect_dma source(%dma_start3A_67 : memref<128xf32, #tpu.memory_space<vmem>>) target(%dma_start3A_69 : memref<10240xf32, #tpu.memory_space<vmem_shared>>) offsets(%arg9 : memref<128xi32, #tpu.memory_space<vmem>>) semaphore(%run_scoped3A_65 : memref<!tpu.dma_semaphore, #tpu.memory_space<semaphore_mem>>) {add = true}
        %dma_wait3A_70 = arith.constant 0 : i32
        %dma_wait3A_71 = tpu.memref_slice %arg11[%dma_wait3A_70] : memref<9984xf32, #tpu.memory_space<vmem>> -> memref<128xf32, #tpu.memory_space<vmem>>
        %dma_wait3A_72 = arith.constant 0 : i32
        %dma_wait3A_73 = tpu.memref_slice %arg16[%dma_wait3A_72] : memref<10240xf32, #tpu.memory_space<vmem_shared>> -> memref<10240xf32, #tpu.memory_space<vmem_shared>>
        tpu.wait_indirect_dma semaphore(%run_scoped3A_65 : memref<!tpu.dma_semaphore, #tpu.memory_space<semaphore_mem>>) src(%dma_wait3A_71 : memref<128xf32, #tpu.memory_space<vmem>>) dst(%dma_wait3A_73 : memref<10240xf32, #tpu.memory_space<vmem_shared>>)
        tpu.yield
      }) : () -> ()
      "tpu.region"() ({
        %run_scoped3A_65 = tpu.sem_alloc : memref<!tpu.dma_semaphore, #tpu.memory_space<semaphore_mem>>
        %dma_start3A_66 = arith.constant 0 : i32
        %dma_start3A_67 = tpu.memref_slice %arg11[%dma_start3A_66] : memref<9984xf32, #tpu.memory_space<vmem>> -> memref<128xf32, #tpu.memory_space<vmem>>
        %dma_start3A_68 = arith.constant 0 : i32
        %dma_start3A_69 = tpu.memref_slice %arg17[%dma_start3A_68] : memref<10240xf32, #tpu.memory_space<vmem_shared>> -> memref<10240xf32, #tpu.memory_space<vmem_shared>>
        tpu.enqueue_indirect_dma source(%dma_start3A_67 : memref<128xf32, #tpu.memory_space<vmem>>) target(%dma_start3A_69 : memref<10240xf32, #tpu.memory_space<vmem_shared>>) offsets(%arg10 : memref<128xi32, #tpu.memory_space<vmem>>) semaphore(%run_scoped3A_65 : memref<!tpu.dma_semaphore, #tpu.memory_space<semaphore_mem>>) {add = true}
        %dma_wait3A_70 = arith.constant 0 : i32
        %dma_wait3A_71 = tpu.memref_slice %arg11[%dma_wait3A_70] : memref<9984xf32, #tpu.memory_space<vmem>> -> memref<128xf32, #tpu.memory_space<vmem>>
        %dma_wait3A_72 = arith.constant 0 : i32
        %dma_wait3A_73 = tpu.memref_slice %arg17[%dma_wait3A_72] : memref<10240xf32, #tpu.memory_space<vmem_shared>> -> memref<10240xf32, #tpu.memory_space<vmem_shared>>
        tpu.wait_indirect_dma semaphore(%run_scoped3A_65 : memref<!tpu.dma_semaphore, #tpu.memory_space<semaphore_mem>>) src(%dma_wait3A_71 : memref<128xf32, #tpu.memory_space<vmem>>) dst(%dma_wait3A_73 : memref<10240xf32, #tpu.memory_space<vmem_shared>>)
        tpu.yield
      }) : () -> ()
    } else {
    }
    %dma_wait3A_46 = arith.constant 0 : i32
    %dma_wait3A_47 = tpu.memref_slice %arg16[%dma_wait3A_46] : memref<10240xf32, #tpu.memory_space<vmem_shared>> -> memref<10240xf32, #tpu.memory_space<vmem_shared>>
    tpu.wait_indirect_dma semaphore(%arg15 : memref<!tpu.dma_semaphore, #tpu.memory_space<semaphore_mem>>) src(%arg11 : memref<9984xf32, #tpu.memory_space<vmem>>) dst(%dma_wait3A_47 : memref<10240xf32, #tpu.memory_space<vmem_shared>>)
    %dma_wait3A_48 = arith.constant 0 : i32
    %dma_wait3A_49 = tpu.memref_slice %arg17[%dma_wait3A_48] : memref<10240xf32, #tpu.memory_space<vmem_shared>> -> memref<10240xf32, #tpu.memory_space<vmem_shared>>
    tpu.wait_indirect_dma semaphore(%arg15 : memref<!tpu.dma_semaphore, #tpu.memory_space<semaphore_mem>>) src(%arg11 : memref<9984xf32, #tpu.memory_space<vmem>>) dst(%dma_wait3A_49 : memref<10240xf32, #tpu.memory_space<vmem_shared>>)
    %barrier3A_50 = arith.constant 0 : index
    tpu.barrier barrier_id(%barrier3A_50)
    %mul3A_51 = arith.constant 640 : i32
    %mul3A_52 = arith.muli %arg1, %mul3A_51 : i32
    "tpu.region"() ({
      %run_scoped3A_60 = tpu.sem_alloc : memref<!tpu.dma_semaphore, #tpu.memory_space<semaphore_mem>>
      %dma_start3A_61 = tpu.memref_slice %arg16[%mul3A_52] : memref<10240xf32, #tpu.memory_space<vmem_shared>> -> memref<640xf32, #tpu.memory_space<vmem_shared>>
      %dma_start3A_62 = tpu.memref_slice %arg16[%mul3A_52] : memref<10240xf32, #tpu.memory_space<vmem_shared>> -> memref<640xf32, #tpu.memory_space<vmem_shared>>
      tpu.enqueue_dma source(%dma_start3A_62 : memref<640xf32, #tpu.memory_space<vmem_shared>>) target(%arg13 : memref<640xf32, #tpu.memory_space<vmem>>) target_semaphore(%run_scoped3A_60 : memref<!tpu.dma_semaphore, #tpu.memory_space<semaphore_mem>>)
      %dma_wait3A_63 = tpu.memref_slice %arg16[%mul3A_52] : memref<10240xf32, #tpu.memory_space<vmem_shared>> -> memref<640xf32, #tpu.memory_space<vmem_shared>>
      %dma_wait3A_64 = tpu.memref_slice %arg16[%mul3A_52] : memref<10240xf32, #tpu.memory_space<vmem_shared>> -> memref<640xf32, #tpu.memory_space<vmem_shared>>
      tpu.wait_dma2 semaphore(%run_scoped3A_60 : memref<!tpu.dma_semaphore, #tpu.memory_space<semaphore_mem>>) src(%dma_wait3A_64 : memref<640xf32, #tpu.memory_space<vmem_shared>>) dst(%arg13 : memref<640xf32, #tpu.memory_space<vmem>>)
      tpu.yield
    }) : () -> ()
    %mul3A_53 = arith.constant 640 : i32
    %mul3A_54 = arith.muli %arg1, %mul3A_53 : i32
    %run_scoped3A = arith.constant 0 : i32
    "tpu.region"() ({
      %run_scoped3A_60 = tpu.sem_alloc : memref<!tpu.dma_semaphore, #tpu.memory_space<semaphore_mem>>
      %dma_start3A_61 = tpu.memref_slice %arg4[%arg0, %run_scoped3A, %mul3A_54] : memref<2x2x10240xf32, #tpu.memory_space<hbm>> -> memref<1x1x640xf32, #tpu.memory_space<hbm>>
      %dma_start3A_62 = tpu.memref_squeeze %dma_start3A_61 : memref<1x1x640xf32, #tpu.memory_space<hbm>> -> memref<640xf32, #tpu.memory_space<hbm>>
      %dma_start3A_63 = tpu.memref_slice %arg4[%arg0, %run_scoped3A, %mul3A_54] : memref<2x2x10240xf32, #tpu.memory_space<hbm>> -> memref<1x1x640xf32, #tpu.memory_space<hbm>>
      %dma_start3A_64 = tpu.memref_squeeze %dma_start3A_63 : memref<1x1x640xf32, #tpu.memory_space<hbm>> -> memref<640xf32, #tpu.memory_space<hbm>>
      tpu.enqueue_dma source(%arg13 : memref<640xf32, #tpu.memory_space<vmem>>) target(%dma_start3A_64 : memref<640xf32, #tpu.memory_space<hbm>>) target_semaphore(%run_scoped3A_60 : memref<!tpu.dma_semaphore, #tpu.memory_space<semaphore_mem>>)
      %dma_wait3A_65 = tpu.memref_slice %arg4[%arg0, %run_scoped3A, %mul3A_54] : memref<2x2x10240xf32, #tpu.memory_space<hbm>> -> memref<1x1x640xf32, #tpu.memory_space<hbm>>
      %dma_wait3A_66 = tpu.memref_squeeze %dma_wait3A_65 : memref<1x1x640xf32, #tpu.memory_space<hbm>> -> memref<640xf32, #tpu.memory_space<hbm>>
      %dma_wait3A_67 = tpu.memref_slice %arg4[%arg0, %run_scoped3A, %mul3A_54] : memref<2x2x10240xf32, #tpu.memory_space<hbm>> -> memref<1x1x640xf32, #tpu.memory_space<hbm>>
      %dma_wait3A_68 = tpu.memref_squeeze %dma_wait3A_67 : memref<1x1x640xf32, #tpu.memory_space<hbm>> -> memref<640xf32, #tpu.memory_space<hbm>>
      tpu.wait_dma2 semaphore(%run_scoped3A_60 : memref<!tpu.dma_semaphore, #tpu.memory_space<semaphore_mem>>) src(%arg13 : memref<640xf32, #tpu.memory_space<vmem>>) dst(%dma_wait3A_68 : memref<640xf32, #tpu.memory_space<hbm>>)
      tpu.yield
    }) : () -> ()
    %mul3A_55 = arith.constant 640 : i32
    %mul3A_56 = arith.muli %arg1, %mul3A_55 : i32
    "tpu.region"() ({
      %run_scoped3A_60 = tpu.sem_alloc : memref<!tpu.dma_semaphore, #tpu.memory_space<semaphore_mem>>
      %dma_start3A_61 = tpu.memref_slice %arg17[%mul3A_56] : memref<10240xf32, #tpu.memory_space<vmem_shared>> -> memref<640xf32, #tpu.memory_space<vmem_shared>>
      %dma_start3A_62 = tpu.memref_slice %arg17[%mul3A_56] : memref<10240xf32, #tpu.memory_space<vmem_shared>> -> memref<640xf32, #tpu.memory_space<vmem_shared>>
      tpu.enqueue_dma source(%dma_start3A_62 : memref<640xf32, #tpu.memory_space<vmem_shared>>) target(%arg13 : memref<640xf32, #tpu.memory_space<vmem>>) target_semaphore(%run_scoped3A_60 : memref<!tpu.dma_semaphore, #tpu.memory_space<semaphore_mem>>)
      %dma_wait3A_63 = tpu.memref_slice %arg17[%mul3A_56] : memref<10240xf32, #tpu.memory_space<vmem_shared>> -> memref<640xf32, #tpu.memory_space<vmem_shared>>
      %dma_wait3A_64 = tpu.memref_slice %arg17[%mul3A_56] : memref<10240xf32, #tpu.memory_space<vmem_shared>> -> memref<640xf32, #tpu.memory_space<vmem_shared>>
      tpu.wait_dma2 semaphore(%run_scoped3A_60 : memref<!tpu.dma_semaphore, #tpu.memory_space<semaphore_mem>>) src(%dma_wait3A_64 : memref<640xf32, #tpu.memory_space<vmem_shared>>) dst(%arg13 : memref<640xf32, #tpu.memory_space<vmem>>)
      tpu.yield
    }) : () -> ()
    %mul3A_57 = arith.constant 640 : i32
    %mul3A_58 = arith.muli %arg1, %mul3A_57 : i32
    %run_scoped3A_59 = arith.constant 1 : i32
    "tpu.region"() ({
      %run_scoped3A_60 = tpu.sem_alloc : memref<!tpu.dma_semaphore, #tpu.memory_space<semaphore_mem>>
      %dma_start3A_61 = tpu.memref_slice %arg4[%arg0, %run_scoped3A_59, %mul3A_58] : memref<2x2x10240xf32, #tpu.memory_space<hbm>> -> memref<1x1x640xf32, #tpu.memory_space<hbm>>
      %dma_start3A_62 = tpu.memref_squeeze %dma_start3A_61 : memref<1x1x640xf32, #tpu.memory_space<hbm>> -> memref<640xf32, #tpu.memory_space<hbm>>
      %dma_start3A_63 = tpu.memref_slice %arg4[%arg0, %run_scoped3A_59, %mul3A_58] : memref<2x2x10240xf32, #tpu.memory_space<hbm>> -> memref<1x1x640xf32, #tpu.memory_space<hbm>>
      %dma_start3A_64 = tpu.memref_squeeze %dma_start3A_63 : memref<1x1x640xf32, #tpu.memory_space<hbm>> -> memref<640xf32, #tpu.memory_space<hbm>>
      tpu.enqueue_dma source(%arg13 : memref<640xf32, #tpu.memory_space<vmem>>) target(%dma_start3A_64 : memref<640xf32, #tpu.memory_space<hbm>>) target_semaphore(%run_scoped3A_60 : memref<!tpu.dma_semaphore, #tpu.memory_space<semaphore_mem>>)
      %dma_wait3A_65 = tpu.memref_slice %arg4[%arg0, %run_scoped3A_59, %mul3A_58] : memref<2x2x10240xf32, #tpu.memory_space<hbm>> -> memref<1x1x640xf32, #tpu.memory_space<hbm>>
      %dma_wait3A_66 = tpu.memref_squeeze %dma_wait3A_65 : memref<1x1x640xf32, #tpu.memory_space<hbm>> -> memref<640xf32, #tpu.memory_space<hbm>>
      %dma_wait3A_67 = tpu.memref_slice %arg4[%arg0, %run_scoped3A_59, %mul3A_58] : memref<2x2x10240xf32, #tpu.memory_space<hbm>> -> memref<1x1x640xf32, #tpu.memory_space<hbm>>
      %dma_wait3A_68 = tpu.memref_squeeze %dma_wait3A_67 : memref<1x1x640xf32, #tpu.memory_space<hbm>> -> memref<640xf32, #tpu.memory_space<hbm>>
      tpu.wait_dma2 semaphore(%run_scoped3A_60 : memref<!tpu.dma_semaphore, #tpu.memory_space<semaphore_mem>>) src(%arg13 : memref<640xf32, #tpu.memory_space<vmem>>) dst(%dma_wait3A_68 : memref<640xf32, #tpu.memory_space<hbm>>)
      tpu.yield
    }) : () -> ()
    return
  }
}

module attributes {stable_mosaic.version = 14 : i64} {
  func.func @_tc_scale_body(%arg0: memref<10000x128xf32, #tpu.memory_space<vmem>>, %arg1: memref<2x2x10240xf32, #tpu.memory_space<vmem>>, %arg2: memref<10000x128xf32, #tpu.memory_space<vmem>>) attributes {dimension_semantics = [], scalar_prefetch = 0 : i64, scratch_operands = 0 : i64, tpu.core_type = #tpu.core_type<tc>} {
    %get3A = arith.constant 0 : index
    %get3A_0 = arith.constant 0 : index
    %get3A_1 = arith.constant 0 : index
    %get3A_2 = vector.load %arg1[%get3A, %get3A_0, %get3A_1] : memref<2x2x10240xf32, #tpu.memory_space<vmem>>, vector<2x2x10240xf32>
    %slice3A = vector.extract_strided_slice %get3A_2 {offsets = [0, 0, 0], sizes = [1, 1, 10240], strides = [1, 1, 1]} : vector<2x2x10240xf32> to vector<1x1x10240xf32>
    %squeeze3A = vector.shape_cast %slice3A : vector<1x1x10240xf32> to vector<10240xf32>
    %slice3A_3 = vector.extract_strided_slice %get3A_2 {offsets = [1, 0, 0], sizes = [1, 1, 10240], strides = [1, 1, 1]} : vector<2x2x10240xf32> to vector<1x1x10240xf32>
    %squeeze3A_4 = vector.shape_cast %slice3A_3 : vector<1x1x10240xf32> to vector<10240xf32>
    %add3A = arith.addf %squeeze3A, %squeeze3A_4 : vector<10240xf32>
    %slice3A_5 = vector.extract_strided_slice %get3A_2 {offsets = [0, 1, 0], sizes = [1, 1, 10240], strides = [1, 1, 1]} : vector<2x2x10240xf32> to vector<1x1x10240xf32>
    %squeeze3A_6 = vector.shape_cast %slice3A_5 : vector<1x1x10240xf32> to vector<10240xf32>
    %slice3A_7 = vector.extract_strided_slice %get3A_2 {offsets = [1, 1, 0], sizes = [1, 1, 10240], strides = [1, 1, 1]} : vector<2x2x10240xf32> to vector<1x1x10240xf32>
    %squeeze3A_8 = vector.shape_cast %slice3A_7 : vector<1x1x10240xf32> to vector<10240xf32>
    %add3A_9 = arith.addf %squeeze3A_6, %squeeze3A_8 : vector<10240xf32>
    %gt3A = arith.constant 0.000000e+00 : f32
    %gt3A_10 = vector.broadcast %gt3A : f32 to vector<10240xf32>
    %gt3A_11 = arith.cmpf ogt, %add3A_9, %gt3A_10 : vector<10240xf32>
    %max3A = arith.constant 1.000000e+00 : f32
    %max3A_12 = vector.broadcast %max3A : f32 to vector<10240xf32>
    %max3A_13 = arith.maximumf %add3A, %max3A_12 : vector<10240xf32>
    %jit3A = arith.constant 1.000000e+00 : f32
    %broadcast_in_dim3A = vector.broadcast %jit3A : f32 to vector<10240xf32>
    %select_n3A = arith.select %gt3A_11, %max3A_13, %broadcast_in_dim3A : vector<10240xi1>, vector<10240xf32>
    %div3A = arith.constant 1.000000e+00 : f32
    %div3A_14 = vector.broadcast %div3A : f32 to vector<10240xf32>
    %div3A_15 = arith.divf %div3A_14, %select_n3A : vector<10240xf32>
    %slice3A_16 = vector.extract_strided_slice %div3A_15 {offsets = [0], sizes = [10000], strides = [1]} : vector<10240xf32> to vector<10000xf32>
    %get3A_17 = arith.constant 0 : index
    %get3A_18 = arith.constant 0 : index
    %get3A_19 = vector.load %arg0[%get3A_17, %get3A_18] : memref<10000x128xf32, #tpu.memory_space<vmem>>, vector<10000x128xf32>
    %broadcast_in_dim3A_20 = vector.shape_cast %slice3A_16 : vector<10000xf32> to vector<10000x1xf32>
    %mul3A = vector.broadcast %broadcast_in_dim3A_20 : vector<10000x1xf32> to vector<10000x128xf32>
    %mul3A_21 = arith.mulf %get3A_19, %mul3A : vector<10000x128xf32>
    %swap3A = arith.constant 0 : index
    %swap3A_22 = arith.constant 0 : index
    %swap3A_23 = vector.load %arg2[%swap3A, %swap3A_22] : memref<10000x128xf32, #tpu.memory_space<vmem>>, vector<10000x128xf32>
    tpu.vector_store %arg2[%swap3A, %swap3A_22], %mul3A_21 {strides = array<i32>} : memref<10000x128xf32, #tpu.memory_space<vmem>>, vector<10000x128xf32>,
    return
  }
}

</mosaic_0001>

<sc_bundles>
// kernel: kernel.4.cloned.1.call-start
scs
__scs_entry_jumppad:
0x0: {  	(pc) =	sbr.rel $0x88, $3  }
0x1: {  	(tag) =	ssettag $0x0;
	lr =	simm.s32 $0x1  }
0x2: {  	[smem:$0x3F9F] =	sst lr;
	_ =	strace $0xD0000000  }
0x3: {  	_ = 	snop  }
0x4: {  	_ = 	snop  }
0x5: {  	_ = 	snop  }
0x6: {  	_ = 	snop  }
0x7: {  	_ = 	snop  }
__scs_overlays_trampoline_lowered:
0x8: {  	[smem:$0x3FAE] =	sst s0  }
0x9: {  	[smem:$0x3FAF] =	sst s1  }
0xa: {  	[smem:$0x3FB0] =	sst s2  }
0xb: {  	[smem:$0x3FB1] =	sst s3  }
0xc: {  	[smem:$0x3FB2] =	sst s4  }
0xd: {  	[smem:$0x3FB3] =	sst s5  }
0xe: {  	[smem:$0x3FB4] =	sst s6  }
0xf: {  	[smem:$0x3FB5] =	sst s7  }
0x10: {  	[smem:$0x3FB6] =	sst s8  }
0x11: {  	[smem:$0x3FB7] =	sst s9;
	s0 =	simm.s32 @!p0 $0x0  }
0x12: {  	s1 =	sld [smem:$0x3F9D];
	s0 =	simm.s32 @p0 $0x1  }
0x13: {  	[smem:$0x3FB8] =	sst s0;
	s0 =	simm.s32 @!p1 $0x0  }
0x14: {  	s2 =	sld [smem:$0x3F9C];
	s0 =	simm.s32 @p1 $0x1  }
0x15: {  	[smem:$0x3FB9] =	sst s0;
	s0 =	simm.s32 @!p2 $0x0  }
0x16: {  	s3 =	sld [smem:$0x3FDB];
	s0 =	simm.s32 @p2 $0x1  }
0x17: {  	s4 =	simm.s32 $0x1BF5;
	[smem:$0x3FBB] =	sst s0  }
0x18: {  	s0 =	sld [smem:$0x3F9E];
	_ =	swait.ge [sflag:s4], $0x0  }
0x19: {  	s7 =	sld [smem:$0x3F9F]  }
0x1a: {  	s8 =	sadd.s32 $0xFFFFE003, lr  }
0x1b: {  	s9 =	sadd.s32 $0xFFFFFEF7, lr;
	s5 =	simm.s32 $0xFFFFFFFF;
	p2 =	slt.u32 s8, $0xFFFFF086  }
0x1c: {  	p1 =	slt.u32 s9, $0xF7A;
	s5 =	simm.s32 @!p2 $0x0  }
0x1d: {  	s5 =	simm.s32 @p1 $0x1;
	p0 =	seq.s32 s7, s2  }
0x1e: {  	s7 =	smul.u32 @!p0 $0xF7A, s2;
	p2 =	seq.s32 @!p0 s5, $0x0  }
0x1f: {  	s9 =	smul.u32 $0xF7A, s1;
	s8 =	simm.s32 @!p0 $0x1BF5;
	p2 =	por !p2, p0  }
0x20: {  	[sflag:s8] =	ssyncset.s32 @!p0 $0xFFFFF086;
	s6 =	sadd.s32 @!p0 s3, s7;
	s7 =	simm.s32 @!p0 $0x108  }
0x21: {  	s3 =	sadd.s32 s3, s9;
	s6 =	sadd.s32 @!p0 $0x88, s6;
	s7 =	simm.s32 @p2 $0x1082  }
0x22: {  	[simem:s7], [sflag:s8] =	dma.local @!p0 [hbm:s6], $0xF7A  }
0x23: {  	s9 =	sor.u32 $0xD0000000, s2;
	s6 =	simm.s32 $0x108;
	_ =	swait.ge @!p0 [sflag:s8], $0x0  }
0x24: {  	s3 =	sadd.s32 $0x88, s3;
	s6 =	simm.s32 @!p1 $0x1082;
	[sflag:s4] =	ssyncset.s32 $0xFFFFF086  }
0x25: {  	[simem:s6], [sflag:s4] =	dma.local [hbm:s3], $0xF7A  }
0x26: {  	[smem:$0x3F9F] =	sst s1;
	(tag) =	ssettag s2;
	_ =	strace s9  }
0x27: {  	s1 =	sld [smem:$0x3FAF]  }
0x28: {  	s2 =	sld [smem:$0x3FB0]  }
0x29: {  	s4 =	sld [smem:$0x3FB2]  }
0x2a: {  	p0 =	seq.s32 s5, $0x0;
	s5 =	sld [smem:$0x3FB3]  }
0x2b: {  	s6 =	sld [smem:$0x3FB4]  }
0x2c: {  	s7 =	sld [smem:$0x3FB5]  }
0x2d: {  	s3 =	simm.s32 $0x108;
	s8 =	sld [smem:$0x3FB6]  }
0x2e: {  	s3 =	simm.s32 @!p0 $0x1082;
	s9 =	sld [smem:$0x3FB7]  }
0x2f: {  	lr =	sadd.s32 s0, s3;
	s0 =	sld [smem:$0x3FAE]  }
0x30: {  	s3 =	sld [smem:$0x3FB1]  }
0x31: {  	[smem:$0x3FBA] =	sst s10  }
0x32: {  	s10 =	sld [smem:$0x3FB8];
	_ =	sdelay $0x3  }
0x33: {  	p0 =	seq.s32 s10, $0x1;
	s10 =	sld [smem:$0x3FBA];
	_ =	sdelay $0x3  }
0x34: {  	[smem:$0x3FBA] =	sst s10  }
0x35: {  	s10 =	sld [smem:$0x3FB9];
	_ =	sdelay $0x3  }
0x36: {  	p1 =	seq.s32 s10, $0x1;
	s10 =	sld [smem:$0x3FBA];
	_ =	sdelay $0x3  }
0x37: {  	[smem:$0x3FBA] =	sst s10  }
0x38: {  	s10 =	sld [smem:$0x3FBB]  }
0x39: {  	_ = 	snop;
	(pc) =	sbr.ind lr, $3  }
0x3a: {  	_ = 	snop  }
0x3b: {  	_ = 	snop  }
0x3c: {  	p2 =	seq.s32 s10, $0x1;
	s10 =	sld [smem:$0x3FBA]  }
0x3d: {  	_ =	shalt  }
0x3e: {  	_ =	shalt  }
0x3f: {  	_ =	shalt  }
0x40: {  	_ =	shalt  }
0x41: {  	_ =	shalt  }
0x42: {  	_ =	shalt  }
0x43: {  	_ =	shalt  }
0x44: {  	_ =	shalt  }
0x45: {  	_ =	shalt  }
0x46: {  	_ =	shalt  }
0x47: {  	_ =	shalt  }
0x48: {  	_ =	shalt  }
0x49: {  	_ =	shalt  }
0x4a: {  	_ =	shalt  }
0x4b: {  	_ =	shalt  }
0x4c: {  	_ =	shalt  }
0x4d: {  	_ =	shalt  }
0x4e: {  	_ =	shalt  }
0x4f: {  	_ =	shalt  }
0x50: {  	_ =	shalt  }
0x51: {  	_ =	shalt  }
0x52: {  	_ =	shalt  }
0x53: {  	_ =	shalt  }
0x54: {  	_ =	shalt  }
0x55: {  	_ =	shalt  }
0x56: {  	_ =	shalt  }
0x57: {  	_ =	shalt  }
0x58: {  	_ =	shalt  }
0x59: {  	_ =	shalt  }
0x5a: {  	_ =	shalt  }
0x5b: {  	_ =	shalt  }
0x5c: {  	_ =	shalt  }
0x5d: {  	_ =	shalt  }
0x5e: {  	_ =	shalt  }
0x5f: {  	_ =	shalt  }
0x60: {  	_ =	shalt  }
0x61: {  	_ =	shalt  }
0x62: {  	_ =	shalt  }
0x63: {  	_ =	shalt  }
0x64: {  	_ =	shalt  }
0x65: {  	_ =	shalt  }
0x66: {  	_ =	shalt  }
0x67: {  	_ =	shalt  }
0x68: {  	_ =	shalt  }
0x69: {  	_ =	shalt  }
0x6a: {  	_ =	shalt  }
0x6b: {  	_ =	shalt  }
0x6c: {  	_ =	shalt  }
0x6d: {  	_ =	shalt  }
0x6e: {  	_ =	shalt  }
0x6f: {  	_ =	shalt  }
0x70: {  	_ =	shalt  }
0x71: {  	_ =	shalt  }
0x72: {  	_ =	shalt  }
0x73: {  	_ =	shalt  }
0x74: {  	_ =	shalt  }
0x75: {  	_ =	shalt  }
0x76: {  	_ =	shalt  }
0x77: {  	_ =	shalt  }
0x78: {  	_ =	shalt  }
0x79: {  	_ =	shalt  }
0x7a: {  	_ =	shalt  }
0x7b: {  	_ =	shalt  }
0x7c: {  	_ =	shalt  }
0x7d: {  	_ =	shalt  }
0x7e: {  	_ =	shalt  }
0x7f: {  	_ =	shalt  }
0x80: {  	_ =	shalt  }
0x81: {  	_ =	shalt  }
0x82: {  	_ =	shalt  }
0x83: {  	_ =	shalt  }
0x84: {  	_ =	shalt  }
0x85: {  	_ =	shalt  }
0x86: {  	_ =	shalt  }
0x87: {  	_ =	shalt  }
.Lfunc_end0:
.L_simem_size_0:
called_computation_lowered:
.L_overlay_start_0:
0x88: {  	s2 =	sld [smem:$0x3FD9]  }
0x89: {  	s3 =	sld [smem:$0x3FFE];
	_ =	sdelay $0x1  }
0x8a: {  	s1 =	srdreg.scid  }
0x8b: {  	s0 =	sand.u32 $0x1, s1  }
0x8c: {  	s17 =	sshll.u32 s0, $0xA;
	s2 =	sadd.s32 s3, s2  }
0x8d: {  	s2 =	sadd.s32 s2, s17  }
0x8e: {  	[smem:$0x3FC6] =	sst s2  }
0x8f: {  	_ = 	snop  }
0x90: {  	s2 =	sld [smem:$0x3FC8]  }
0x91: {  	s18 =	sld [smem:$0x3FD0];
	(tm) =	ssettm $0x1  }
0x92: {  	s4 =	sld [smem:$0x3FFB];
	_ =	sdelay $0x3  }
0x93: {  	_ =	strace s4  }
0x94: {  	s4 =	sld [smem:$0x3FFC];
	_ =	sdelay $0x3  }
0x95: {  	_ =	strace s4  }
0x96: {  	s4 =	sld [smem:$0x3FFD];
	_ =	sdelay $0x3  }
0x97: {  	_ =	strace s4  }
0x98: {  	_ =	strace $0x8FFFFFFF  }
0x99: {  	s19 =	sld [smem:$0x3FDB];
	_ =	sdelay $0x1  }
0x9a: {  	s5 =	simm.s32 $_scs_section_size  }
0x9b: {  	s6 =	simm.s32 $_size__tile_overlayer_lowered;
	s7 =	simm.s32 $_tile_overlayer_lowered  }
0x9c: {  	s22 =	simm.s32 $0x1BFF;
	s21 =	sshll.u32 s7, $0x1;
	s4 =	sadd.s32 s5, s19  }
0x9d: {  	s8 =	simm.s32 $0x0;
	s20 =	sshll.u32 s6, $0x1;
	s6 =	sadd.s32 s21, s4  }
0x9e: {  	[timem:s8], [sflag:s22] =	dma.local [hbm:s6], s20  }
0x9f: {  	_ =	swait.ge [sflag:s22], s20  }
0xa0: {  	s5 =	ssub.s32 $0x0, s20;
	[sflag:s22] =	ssyncset.done $0x0  }
0xa1: {  	[sflag:s22] =	ssyncadd.s32 s5;
	_ =	sdelay $0x1  }
0xa2: {  	s23 =	simm.s32 $0x1B8B  }
0xa3: {  	_ =	swait.ge [sflag:s23], $0x1  }
0xa4: {  	[sflag:s23] =	ssyncset.done $0x0  }
0xa5: {  	s25 =	simm.s32 $0x1B8E;
	s24 =	sld [smem:$0x3FFE];
	[sflag:s23] =	ssyncadd.s32 $0xFFFFFFFF  }
0xa6: {  	s26 =	simm.s32 $execute0_lowered;
	[smem:$0x3FD2] =	sst s25  }
0xa7: {  	s6 =	sshll.u32 s26, $0x1;
	_ =	strace $0x80000046;
	[dreg:$0x1] =	wrdreg $0xFFFFFFFF  }
0xa8: {  	s28 =	simm.s32 $_size_execute0_lowered;
	s4 =	sadd.s32 s4, s6;
	[dreg:$0x0] =	wrdreg $0x0  }
0xa9: {  	s6 =	sshll.u32 s28, $0x1;
	[dreg:$0x2] =	wrdreg s4  }
0xaa: {  	[dreg:$0x3] =	wrdreg s6  }
0xab: {  	[dreg:$0x4] =	wrdreg $0xC0  }
0xac: {  	_ =	task [dreg:s8], $0x5FFFF  }
0xad: {  	[dreg:$0x1] =	wrdreg $0xFFFFFFFF  }
0xae: {  	[dreg:$0x0] =	wrdreg $0x60  }
0xaf: {  	[dreg:$0x2] =	wrdreg s2  }
0xb0: {  	[dreg:$0x3] =	wrdreg s24  }
0xb1: {  	[dreg:$0x4] =	wrdreg s18  }
0xb2: {  	[dreg:$0x5] =	wrdreg $0xCA000  }
0xb3: {  	[dreg:$0x6] =	wrdreg $0xCC800  }
0xb4: {  	[dreg:$0x7] =	wrdreg $0x9  }
0xb5: {  	_ =	task.clear_ibuf [dreg:s8], $0x8FFFF;
	_ =	strace $0x90000046  }
0xb6: {  	s29 =	simm.s32 $0x9;
	_ =	strace $0x80000048  }
0xb7: {  	_ =	swait.ge [sflag:s29], $0x1  }
0xb8: {  	[sflag:s29] =	ssyncadd.s32 $0xFFFFFFFF  }
0xb9: {  	_ =	strace $0x90000048  }
0xba: {  	_ =	sfence  }
0xbb: {  	s30 =	sld [smem:$0x0];
	_ =	sdelay $0x2  }
0xbc: {  	s31 =	sshll.u32 s1, $0xD;
	s1 =	sshrl.u32 s1, $0x2  }
0xbd: {  	s3 =	sand.u32 $0x4000, s31;
	s1 =	sadd.s32 s1, s30  }
0xbe: {  	s0 =	sor.u32 s3, s0;
	s1 =	sshll.u32 s1, $0x11  }
0xbf: {  	s0 =	sor.u32 s1, s0  }
0xc0: {  	s0 =	sadd.s32 $0x8F2B, s0  }
0xc1: {  	[sflag:s0] =	ssyncadd.remote.s32 $0x1  }
0xc2: {  	_ =	sfence.sel $0xFFFF  }
0xc3: {  	[dreg:$0x0] =	wrdreg $0xFFFFFFFF;
	(pc) =	sbr.abs _section_cstart, $3  }
0xc4: {  	[dreg:$0x1] =	wrdreg $0xFFFFFFFF  }
0xc5: {  	_ =	task.clear_ibuf [dreg:s8], $0x2FFFF;
	_ =	strace $0x9FFFFFFF  }
0xc6: {  	(tm) =	ssettm $0x7FFFFFFF  }
0xc7: {  	_ =	shalt  }
tec
execute0_lowered:
.L_overlay_start_1:
0x0: {  	(tag) =	ssettag $0x1  }
0x1: {  	s6 =	rddreg [dreg:$0x0]  }
0x2: {  	s5 =	rddreg [dreg:$0x1]  }
0x3: {  	s8 =	rddreg [dreg:$0x2]  }
0x4: {  	s1 =	rddreg [dreg:$0x3]  }
0x5: {  	s2 =	rddreg [dreg:$0x4]  }
0x6: {  	s0 =	rddreg [dreg:$0x5]  }
0x7: {  	s4 =	simm.s32 $0x0;
	s7 =	srdreg.scid;
	s3 =	stileid.u32  }
0x8: {  	s14 =	simm.s32 $0x9E00;
	s15 =	simm.s32 $0xC500;
	s16 =	simm.s32 $0x3  }
0x9: {  	s17 =	simm.s32 $0x1;
	s18 =	simm.s32 $0x2700;
	s19 =	simm.s32 $0x4F00  }
0xa: {  	s21 =	simm.s32 $0x2;
	s22 =	simm.s32 $0xC780;
	s23 =	simm.s32 $0x80  }
0xb: {  	s24 =	simm.s32 $0x100;
	s25 =	simm.s32 $0x0;
	[smem:$0x7FF] =	sst s4  }
0xc: {  	s7 =	sand.u32 $0x1, s7;
	s28 =	smul.u32 $0x500, s3;
	s5 =	sadd.s32 $0x800, s5  }
0xd: {  	s31 =	smul.u32 $0x280, s3;
	_ =	strace $0x80000047;
	s9 =	ssub.s32 $0x2, s7  }
0xe: {  	s10 =	sshll.u32 s7, $0x4;
	s7 =	smul.u32 $0x5000, s7;
	s11 =	sshrl.u32 s9, $0x1  }
0xf: {  	s20 =	sor.u32 s3, s10;
	s10 =	sadd.s32 s31, s2;
	s12 =	ssub.s32 s9, s11  }
0x10: {  	s29 =	smin.u32 s20, $0x3;
	s30 =	smul.u32 $0x9C0, s20;
	s7 =	sadd.s32 s28, s7  }
0x11: {  	p0 =	sgt.u32 s20, $0x3;
	s20 =	simm.s32 $0x7600;
	s9 =	sshll.u32 s29, $0x5  }
0x12: {  	s13 =	sshrl.u32 s7, $0x3;
	s12 =	smax.u32 s12, $0x1;
	s9 =	sadd.s32 s9, s6  }
0x13: {  	s6 =	sadd.s32 s6, s30;
	s8 =	sadd.s32 s8, s13;
	s13 =	simm.s32 $0x4E00  }
0x14: {  	v0 =	vimm.f32 $0.0e+00;
	s7 =	sadd.s32 $0x13800, s9;
	s9 =	sadd.s32 s31, s1;
	s11 =	sadd.s32 $0x10, s8  }
.LBB2_1:
0x15: {  	[tilespmem:s4], [sflag:$0x1] =	stream.linear.gather [hbm4b:s6+s4], $0x4E00, $0x38;
	[tilespmem:$0xCF00] =	vst v63  }
0x16: {  	_ = 	snop  }
0x17: {  	[tilespmem:s13], [sflag:$0x1] =	stream.linear.gather [hbm4b:s7+s4], $0x100, $0x38;
	[tilespmem:$0xCF00] =	vst v63  }
0x18: {  	_ = 	snop  }
0x19: {  	[tilespmem:s14], [sflag:$0x1] =	stream.linear.gather [hbm4b:s5+s4], $0x2700, $0x38;
	[tilespmem:$0xCF00] =	vst v63  }
0x1a: {  	[tilespmem:$0xC500] =	vst v0  }
0x1b: {  	[tilespmem:$0xC510] =	vst v0  }
0x1c: {  	[tilespmem:$0xC520] =	vst v0  }
0x1d: {  	[tilespmem:$0xC530] =	vst v0  }
0x1e: {  	[tilespmem:$0xC540] =	vst v0  }
0x1f: {  	[tilespmem:$0xC550] =	vst v0  }
0x20: {  	[tilespmem:$0xC560] =	vst v0  }
0x21: {  	[tilespmem:$0xC570] =	vst v0  }
0x22: {  	[tilespmem:$0xC580] =	vst v0  }
0x23: {  	[tilespmem:$0xC590] =	vst v0  }
0x24: {  	[tilespmem:$0xC5A0] =	vst v0  }
0x25: {  	[tilespmem:$0xC5B0] =	vst v0  }
0x26: {  	[tilespmem:$0xC5C0] =	vst v0  }
0x27: {  	[tilespmem:$0xC5D0] =	vst v0  }
0x28: {  	[tilespmem:$0xC5E0] =	vst v0  }
0x29: {  	[tilespmem:$0xC5F0] =	vst v0  }
0x2a: {  	[tilespmem:$0xC600] =	vst v0  }
0x2b: {  	[tilespmem:$0xC610] =	vst v0  }
0x2c: {  	[tilespmem:$0xC620] =	vst v0  }
0x2d: {  	[tilespmem:$0xC630] =	vst v0  }
0x2e: {  	[tilespmem:$0xC640] =	vst v0  }
0x2f: {  	[tilespmem:$0xC650] =	vst v0  }
0x30: {  	[tilespmem:$0xC660] =	vst v0  }
0x31: {  	[tilespmem:$0xC670] =	vst v0  }
0x32: {  	[tilespmem:$0xC680] =	vst v0  }
0x33: {  	[tilespmem:$0xC690] =	vst v0  }
0x34: {  	[tilespmem:$0xC6A0] =	vst v0  }
0x35: {  	[tilespmem:$0xC6B0] =	vst v0  }
0x36: {  	[tilespmem:$0xC6C0] =	vst v0  }
0x37: {  	[tilespmem:$0xC6D0] =	vst v0  }
0x38: {  	[tilespmem:$0xC6E0] =	vst v0  }
0x39: {  	[tilespmem:$0xC6F0] =	vst v0  }
0x3a: {  	[tilespmem:$0xC700] =	vst v0  }
0x3b: {  	[tilespmem:$0xC710] =	vst v0  }
0x3c: {  	[tilespmem:$0xC720] =	vst v0  }
0x3d: {  	[tilespmem:$0xC730] =	vst v0  }
0x3e: {  	[tilespmem:$0xC740] =	vst v0  }
0x3f: {  	[tilespmem:$0xC750] =	vst v0  }
0x40: {  	[tilespmem:$0xC760] =	vst v0  }
0x41: {  	[tilespmem:$0xC770] =	vst v0  }
0x42: {  	[spmem:s9] =	stream.linear.scatter [tilespmem:s15], [sflag:$0x3], $0x280, $0x38;
	[tilespmem:$0xCF00] =	vst v63  }
0x43: {  	_ =	swait.ge [sflag:s16], $0x280  }
0x44: {  	[sflag:s16] =	ssyncset.done $0x0  }
0x45: {  	[sflag:s16] =	ssyncadd.s32 $0xFFFFFD80  }
0x46: {  	[spmem:s10] =	stream.linear.scatter [tilespmem:s15], [sflag:$0x3], $0x280, $0x38;
	[tilespmem:$0xCF00] =	vst v63  }
0x47: {  	_ =	swait.ge [sflag:s16], $0x280  }
0x48: {  	[sflag:s16] =	ssyncset.done $0x0  }
0x49: {  	[sflag:s16] =	ssyncadd.s32 $0xFFFFFD80  }
0x4a: {  	_ =	swait.ge [sflag:s17], $0x4E00  }
0x4b: {  	[sflag:s17] =	ssyncset.done $0x0  }
0x4c: {  	s28 =	simm.s32 $0x40;
	[sflag:s17] =	ssyncadd.s32 $0xFFFFB200  }
0x4d: {  	v1 =	vld [tilespmem:s28+$0xFFFFFFC0];
	_ =	sdelay $0x3  }
0x4e: {  	s26 =	simm.s32 $0x4F40  }
0x4f: {  	[tilespmem:s26+$0xFFFFFFC0] =	vst v1  }
0x50: {  	v1 =	vld [tilespmem:s28+$0xFFFFFFD0];
	_ =	sdelay $0x4  }
0x51: {  	[tilespmem:s26+$0xFFFFFFD0] =	vst v1  }
0x52: {  	v1 =	vld [tilespmem:s28+$0xFFFFFFE0];
	_ =	sdelay $0x4  }
0x53: {  	[tilespmem:s26+$0xFFFFFFE0] =	vst v1  }
0x54: {  	v1 =	vld [tilespmem:s28+$0xFFFFFFF0];
	_ =	sdelay $0x4  }
0x55: {  	[tilespmem:s26+$0xFFFFFFF0] =	vst v1  }
0x56: {  	v1 =	vld [tilespmem:s28+$0x0];
	_ =	sdelay $0x4  }
0x57: {  	[tilespmem:s26+$0x0] =	vst v1  }
0x58: {  	v1 =	vld [tilespmem:s28+$0x10];
	_ =	sdelay $0x4  }
0x59: {  	[tilespmem:s26+$0x10] =	vst v1  }
0x5a: {  	v1 =	vld [tilespmem:s28+$0x20];
	_ =	sdelay $0x4  }
0x5b: {  	[tilespmem:s26+$0x20] =	vst v1  }
0x5c: {  	v1 =	vld [tilespmem:s28+$0x30];
	_ =	sdelay $0x4  }
0x5d: {  	s29 =	simm.s32 $0x140;
	s28 =	simm.s32 $0x0;
	[tilespmem:s26+$0x30] =	vst v1  }
.LBB2_2:
0x5e: {  	v1 =	vld [tilespmem:s29+$0xFFFFFFC0];
	s28 =	sadd.s32 $0x8, s28  }
0x5f: {  	p1 =	slt.u32 s28, $0x268;
	_ =	sdelay $0x2  }
0x60: {  	s26 =	sadd.s32 $0x80, s26  }
0x61: {  	[tilespmem:s26+$0xFFFFFFC0] =	vst v1  }
0x62: {  	v1 =	vld [tilespmem:s29+$0xFFFFFFD0];
	_ =	sdelay $0x4  }
0x63: {  	[tilespmem:s26+$0xFFFFFFD0] =	vst v1  }
0x64: {  	v1 =	vld [tilespmem:s29+$0xFFFFFFE0];
	_ =	sdelay $0x4  }
0x65: {  	[tilespmem:s26+$0xFFFFFFE0] =	vst v1  }
0x66: {  	v1 =	vld [tilespmem:s29+$0xFFFFFFF0];
	_ =	sdelay $0x4  }
0x67: {  	[tilespmem:s26+$0xFFFFFFF0] =	vst v1  }
0x68: {  	v1 =	vld [tilespmem:s29+$0x0];
	_ =	sdelay $0x4  }
0x69: {  	[tilespmem:s26+$0x0] =	vst v1  }
0x6a: {  	v1 =	vld [tilespmem:s29+$0x10];
	_ =	sdelay $0x4  }
0x6b: {  	[tilespmem:s26+$0x10] =	vst v1  }
0x6c: {  	v1 =	vld [tilespmem:s29+$0x20];
	_ =	sdelay $0x4  }
0x6d: {  	[tilespmem:s26+$0x20] =	vst v1  }
0x6e: {  	v1 =	vld [tilespmem:s29+$0x30]  }
.Ltmp0:
0x6f: {  	(pc) =	sbr.rel @p1 .LBB2_2-.Ltmp0, $2  }
0x70: {  	_ =	sdelay $0x2  }
0x71: {  	s29 =	sadd.s32 $0x100, s29;
	[tilespmem:s26+$0x30] =	vst v1  }
0x72: {  	[bflag:$0x0] =	sbarrier.arrive $0xFFFF  }
0x73: {  	_ =	swait.ge [sflag:s17], $0x2700  }
0x74: {  	[sflag:s17] =	ssyncset.done $0x0  }
0x75: {  	s28 =	simm.s32 $0xF0;
	[sflag:s17] =	ssyncadd.s32 $0xFFFFD900  }
0x76: {  	[spmem:s1] =	stream.indirect.scatter.add.f32 [tilespmem:s14], [sflag:$0x2], $0x1, s19, s18, $0xb8;
	[tilespmem:$0xCF00] =	vst v63  }
0x77: {  	v1 =	vld [tilespmem:s28+$0xFFFFFF90];
	_ =	sdelay $0x3  }
0x78: {  	s26 =	simm.s32 $0x7640  }
0x79: {  	[tilespmem:s26+$0xFFFFFFC0] =	vst v1  }
0x7a: {  	v1 =	vld [tilespmem:s28+$0xFFFFFFA0];
	_ =	sdelay $0x4  }
0x7b: {  	[tilespmem:s26+$0xFFFFFFD0] =	vst v1  }
0x7c: {  	v1 =	vld [tilespmem:s28+$0xFFFFFFB0];
	_ =	sdelay $0x4  }
0x7d: {  	[tilespmem:s26+$0xFFFFFFE0] =	vst v1  }
0x7e: {  	v1 =	vld [tilespmem:s28+$0xFFFFFFC0];
	_ =	sdelay $0x4  }
0x7f: {  	[tilespmem:s26+$0xFFFFFFF0] =	vst v1  }
0x80: {  	v1 =	vld [tilespmem:s28+$0xFFFFFFD0];
	_ =	sdelay $0x4  }
0x81: {  	[tilespmem:s26+$0x0] =	vst v1  }
0x82: {  	v1 =	vld [tilespmem:s28+$0xFFFFFFE0];
	_ =	sdelay $0x4  }
0x83: {  	[tilespmem:s26+$0x10] =	vst v1  }
0x84: {  	v1 =	vld [tilespmem:s28+$0xFFFFFFF0];
	_ =	sdelay $0x4  }
0x85: {  	[tilespmem:s26+$0x20] =	vst v1  }
0x86: {  	v1 =	vld [tilespmem:s28+$0x0];
	_ =	sdelay $0x4  }
0x87: {  	s29 =	simm.s32 $0x1F0;
	s28 =	simm.s32 $0x0;
	[tilespmem:s26+$0x30] =	vst v1  }
.LBB2_4:
0x88: {  	v1 =	vld [tilespmem:s29+$0xFFFFFF90];
	s28 =	sadd.s32 $0x8, s28  }
0x89: {  	p1 =	slt.u32 s28, $0x268;
	_ =	sdelay $0x2  }
0x8a: {  	s26 =	sadd.s32 $0x80, s26  }
0x8b: {  	[tilespmem:s26+$0xFFFFFFC0] =	vst v1  }
0x8c: {  	v1 =	vld [tilespmem:s29+$0xFFFFFFA0];
	_ =	sdelay $0x4  }
0x8d: {  	[tilespmem:s26+$0xFFFFFFD0] =	vst v1  }
0x8e: {  	v1 =	vld [tilespmem:s29+$0xFFFFFFB0];
	_ =	sdelay $0x4  }
0x8f: {  	[tilespmem:s26+$0xFFFFFFE0] =	vst v1  }
0x90: {  	v1 =	vld [tilespmem:s29+$0xFFFFFFC0];
	_ =	sdelay $0x4  }
0x91: {  	[tilespmem:s26+$0xFFFFFFF0] =	vst v1  }
0x92: {  	v1 =	vld [tilespmem:s29+$0xFFFFFFD0];
	_ =	sdelay $0x4  }
0x93: {  	[tilespmem:s26+$0x0] =	vst v1  }
0x94: {  	v1 =	vld [tilespmem:s29+$0xFFFFFFE0];
	_ =	sdelay $0x4  }
0x95: {  	[tilespmem:s26+$0x10] =	vst v1  }
0x96: {  	v1 =	vld [tilespmem:s29+$0xFFFFFFF0];
	_ =	sdelay $0x4  }
0x97: {  	[tilespmem:s26+$0x20] =	vst v1  }
0x98: {  	v1 =	vld [tilespmem:s29+$0x0]  }
.Ltmp1:
0x99: {  	(pc) =	sbr.rel @p1 .LBB2_4-.Ltmp1, $2  }
0x9a: {  	_ =	sdelay $0x2  }
0x9b: {  	s29 =	sadd.s32 $0x100, s29;
	[tilespmem:s26+$0x30] =	vst v1  }
0x9c: {  	[spmem:s2] =	stream.indirect.scatter.add.f32 [tilespmem:s14], [sflag:$0x2], $0x1, s20, s18, $0xb8;
	[tilespmem:$0xCF00] =	vst v63  }
0x9d: {  	_ =	swait.ge [sflag:s17], $0x100  }
0x9e: {  	[sflag:s17] =	ssyncset.done $0x0  }
0x9f: {  	[sflag:s17] =	ssyncadd.s32 $0xFFFFFF00  }
0xa0: {  	v1 =	vld @!p0 [tilespmem:$0x4E00]  }
0xa1: {  	v2 =	vld @!p0 [tilespmem:$0x4E80]  }
0xa2: {  	v3 =	vld @!p0 [tilespmem:$0x4E10]  }
0xa3: {  	v4 =	vld @!p0 [tilespmem:$0x4E90]  }
0xa4: {  	v5 =	vld @!p0 [tilespmem:$0x4E20]  }
0xa5: {  	[tilespmem:$0x9D00] =	vst @!p0 v1;
	v1 =	vld @!p0 [tilespmem:$0x4EA0]  }
0xa6: {  	[tilespmem:$0x9D80] =	vst @!p0 v2;
	v2 =	vld @!p0 [tilespmem:$0x4E30]  }
0xa7: {  	[tilespmem:$0x9D10] =	vst @!p0 v3;
	v3 =	vld @!p0 [tilespmem:$0x4EB0]  }
0xa8: {  	[tilespmem:$0x9D90] =	vst @!p0 v4;
	v4 =	vld @!p0 [tilespmem:$0x4E40]  }
0xa9: {  	[tilespmem:$0x9D20] =	vst @!p0 v5;
	v5 =	vld @!p0 [tilespmem:$0x4EC0]  }
0xaa: {  	[tilespmem:$0x9DA0] =	vst @!p0 v1;
	v1 =	vld @!p0 [tilespmem:$0x4E50]  }
0xab: {  	[tilespmem:$0x9D30] =	vst @!p0 v2;
	v2 =	vld @!p0 [tilespmem:$0x4ED0]  }
0xac: {  	[tilespmem:$0x9DB0] =	vst @!p0 v3;
	v3 =	vld @!p0 [tilespmem:$0x4E60]  }
0xad: {  	[tilespmem:$0x9D40] =	vst @!p0 v4;
	v4 =	vld @!p0 [tilespmem:$0x4EE0]  }
0xae: {  	[tilespmem:$0x9DC0] =	vst @!p0 v5;
	v5 =	vld @!p0 [tilespmem:$0x4E70]  }
0xaf: {  	[tilespmem:$0x9D50] =	vst @!p0 v1;
	v1 =	vld @!p0 [tilespmem:$0x4EF0]  }
0xb0: {  	[tilespmem:$0x9DD0] =	vst @!p0 v2  }
0xb1: {  	[tilespmem:$0x9D60] =	vst @!p0 v3  }
0xb2: {  	[tilespmem:$0x9DE0] =	vst @!p0 v4  }
0xb3: {  	[tilespmem:$0x9D70] =	vst @!p0 v5  }
0xb4: {  	s26 =	simm.s32 @!p0 $0x80;
	s28 =	simm.s32 @!p0 $0x9D00;
	s29 =	simm.s32 @!p0 $0x9E00;
	[tilespmem:$0x9DF0] =	vst @!p0 v1  }
0xb5: {  	[spmem:s1] =	stream.indirect.scatter.add.f32 @!p0 [tilespmem:s29], [sflag:$0x3], $0x1, s28, s26, $0xb8;
	[tilespmem:$0xCF00] =	vst v63  }
0xb6: {  	s28 =	simm.s32 @!p0 $0x3  }
0xb7: {  	_ =	swait.ge @!p0 [sflag:s28], $0x80  }
0xb8: {  	[sflag:s28] =	ssyncset.done @!p0 $0x0  }
0xb9: {  	s30 =	simm.s32 @!p0 $0x9D80;
	[sflag:s28] =	ssyncadd.s32 @!p0 $0xFFFFFF80  }
0xba: {  	[spmem:s2] =	stream.indirect.scatter.add.f32 @!p0 [tilespmem:s29], [sflag:$0x3], $0x1, s30, s26, $0xb8;
	[tilespmem:$0xCF00] =	vst v63  }
0xbb: {  	_ =	swait.ge @!p0 [sflag:s28], $0x80  }
0xbc: {  	[sflag:s28] =	ssyncset.done @!p0 $0x0  }
0xbd: {  	[sflag:s28] =	ssyncadd.s32 @!p0 $0xFFFFFF80  }
0xbe: {  	_ =	swait.ge [sflag:s21], $0x2700  }
0xbf: {  	[sflag:s21] =	ssyncset.done $0x0  }
0xc0: {  	[sflag:s21] =	ssyncadd.s32 $0xFFFFD900  }
0xc1: {  	_ =	swait.ge [sflag:s21], $0x2700  }
0xc2: {  	[sflag:s21] =	ssyncset.done $0x0  }
0xc3: {  	[sflag:s21] =	ssyncadd.s32 $0xFFFFD900  }
0xc4: {  	[bflag:$0x0] =	sbarrier.arrive $0xFFFF  }
0xc5: {  	[tilespmem:s22], [sflag:$0x3] =	stream.linear.gather [spmem:s9], $0x280, $0x38;
	[tilespmem:$0xCF00] =	vst v63  }
0xc6: {  	_ =	swait.ge [sflag:s16], $0x280  }
0xc7: {  	[sflag:s16] =	ssyncset.done $0x0  }
0xc8: {  	[sflag:s16] =	ssyncadd.s32 $0xFFFFFD80  }
0xc9: {  	[hbm4b:s8+s23] =	stream.strided.scatter [tilespmem:s22], [sflag:$0x3], $0x280, s24, s23, $0x38;
	[tilespmem:$0xCF00] =	vst v63  }
0xca: {  	_ =	swait.ge [sflag:s16], $0x280  }
0xcb: {  	[sflag:s16] =	ssyncset.done $0x0  }
0xcc: {  	[sflag:s16] =	ssyncadd.s32 $0xFFFFFD80  }
0xcd: {  	[tilespmem:s22], [sflag:$0x3] =	stream.linear.gather [spmem:s10], $0x280, $0x38;
	[tilespmem:$0xCF00] =	vst v63  }
0xce: {  	s25 =	sadd.s32 $0x1, s25;
	_ =	swait.ge [sflag:s16], $0x280  }
0xcf: {  	p1 =	sne.s32 s25, s12;
	[sflag:s16] =	ssyncset.done $0x0  }
.Ltmp2:
0xd0: {  	[sflag:s16] =	ssyncadd.s32 $0xFFFFFD80;
	(pc) =	sbr.rel @p1 .LBB2_1-.Ltmp2, $4  }
0xd1: {  	[hbm4b:s11+s23] =	stream.strided.scatter [tilespmem:s22], [sflag:$0x3], $0x280, s24, s23, $0x38;
	[tilespmem:$0xCF00] =	vst v63  }
0xd2: {  	_ =	swait.ge [sflag:s16], $0x280  }
0xd3: {  	[sflag:s16] =	ssyncset.done $0x0  }
0xd4: {  	[sflag:s16] =	ssyncadd.s32 $0xFFFFFD80  }
0xd5: {  	_ =	sfence.sel $0x180000  }
0xd6: {  	[bflag:$0x0] =	sbarrier.arrive $0xFFFF  }
0xd7: {  	p0 =	sne.s32 s3, $0x0;
	_ =	strace $0x90000047  }
0xd8: {  	s0 =	sadd.s32 @!p0 $0x100000, s0;
	[bflag:$0x2] =	sbarrier.arrive $0xFFFF  }
0xd9: {  	[sflag:s0] =	ssyncadd.tile.s32 @!p0 $0x1;
	_ =	shalt  }
.Lfunc_end2:
_tile_overlayer_lowered:
.L_overlay_start_2:
0xda: {  	(tag) =	ssettag $0x2  }
0xdb: {  	s0 =	rddreg [dreg:$0x0];
	s2 =	stileid.u32  }
0xdc: {  	s1 =	rddreg [dreg:$0x1];
	p0 =	sne.s32 s2, $0x0  }
0xdd: {  	s3 =	rddreg [dreg:$0x2];
	[bflag:$0x3] =	sbarrier.arrive $0xFFFF;
	s2 =	simm.s32 @!p0 $0x1C03  }
0xde: {  	[timem:s3], [sflag:s2] =	dma.local @!p0 [hbm:s0], s1  }
0xdf: {  	s0 =	simm.s32 @!p0 $0x3  }
0xe0: {  	_ =	swait.ge @!p0 [sflag:s0], s1  }
0xe1: {  	s1 =	ssub.s32 @!p0 $0x0, s1;
	[sflag:s0] =	ssyncset.done @!p0 $0x0  }
0xe2: {  	[sflag:s0] =	ssyncadd.s32 @!p0 s1  }
0xe3: {  	[bflag:$0x3] =	sbarrier.arrive $0xFFFF  }
0xe4: {  	_ =	shalt  }

</sc_bundles>
